<compile_context>
chip_gen: v7x
topology: tpu7x:2x2x1
jax: 0.10.2.dev20260603
libtpu: 0.0.44.dev20260713+nightly
codegen_flags: <defaults>
</compile_context>

<pallas_src>
import functools

import jax
import jax.numpy as jnp
from jax import lax
from jax.experimental import pallas as pl
from jax.experimental.pallas import tpu as pltpu
from jax.experimental.pallas import tpu_sc as plsc

_N = 320000
_F = 128
_S = 10000
_ST = 10240
_EPS = 1e-9

_NW = 32
_RPW = _N // _NW
_G = 80
_GPW = _RPW // _G
_GPS = 5
_NSTEP = _GPW // _GPS

_mesh = plsc.VectorSubcoreMesh(core_axis_name="c", subcore_axis_name="s")


def _phase_a_body(x_hbm, idx_hbm, z128_hbm, ones_hbm,
                  psum_hbm, pcnt_hbm,
                  idx_v, bufs, lsem, asem, sums_sh):
  cid = lax.axis_index("c")
  sid = lax.axis_index("s")
  wid = sid * 2 + cid

  @pl.when(sid == 0)
  def _zero_table():
    pltpu.sync_copy(z128_hbm, sums_sh)

  plsc.subcore_barrier()

  row0 = wid * _RPW

  def _x_slice(grp):
    base = pl.multiple_of(row0 + grp * _G, 8)
    return x_hbm.at[pl.ds(base, _G)]

  pltpu.async_copy(_x_slice(0), bufs.at[0], lsem)

  @pl.loop(0, _NSTEP)
  def _scatter_loop(step):
    pltpu.sync_copy(idx_hbm.at[wid, step], idx_v)
    for g in range(_GPS):
      grp = step * _GPS + g
      par = (step + g) % 2
      nxt = jnp.minimum(grp + 1, _GPW - 1)
      pltpu.async_copy(_x_slice(nxt), bufs.at[1 - par], lsem)
      pltpu.make_async_copy(_x_slice(grp), bufs.at[par], lsem).wait()
      pltpu.sync_copy(bufs.at[par], sums_sh.at[idx_v.at[g]], add=True)

  pltpu.make_async_copy(_x_slice(0), bufs.at[0], lsem).wait()
  plsc.subcore_barrier()

  @pl.when(sid == 0)
  def _write_sums():
    pltpu.sync_copy(sums_sh, psum_hbm.at[cid])
    pltpu.sync_copy(z128_hbm, sums_sh)

  pltpu.sync_copy(ones_hbm, bufs.at[0])
  plsc.subcore_barrier()

  @pl.loop(0, _NSTEP)
  def _count_loop(step):
    pltpu.sync_copy(idx_hbm.at[wid, step], idx_v)
    descs = [
        pltpu.async_copy(bufs.at[0], sums_sh.at[idx_v.at[g]], asem, add=True)
        for g in range(_GPS)
    ]
    for d in descs:
      d.wait()

  plsc.subcore_barrier()

  @pl.when(sid == 0)
  def _write_counts():
    pltpu.sync_copy(sums_sh, pcnt_hbm.at[cid])


_phase_a = functools.partial(
    pl.kernel,
    out_type=[
        jax.ShapeDtypeStruct((2, _ST, _F), jnp.float32),
        jax.ShapeDtypeStruct((2, _ST, _F), jnp.float32),
    ],
    mesh=_mesh,
    scratch_types=[
        pltpu.VMEM((_GPS, _G), jnp.int32),
        pltpu.VMEM((2, _G, _F), jnp.float32),
        pltpu.SemaphoreType.DMA,
        pltpu.SemaphoreType.DMA,
        pltpu.VMEM_SHARED((_ST, _F), jnp.float32),
    ],
)(_phase_a_body)


def _combine_body(p0_ref, p1_ref, c0_ref, c1_ref, out_ref):
  cnt = c0_ref[:, 0:1] + c1_ref[:, 0:1]
  out_ref[...] = (p0_ref[...] + p1_ref[...]) / (cnt + _EPS)


def _phase_c_body(pooled_hbm, idx_hbm, out_hbm, idx_v, bufs, gsem, ssem):
  cid = lax.axis_index("c")
  sid = lax.axis_index("s")
  wid = sid * 2 + cid
  row0 = wid * _RPW

  def _out_slice(grp):
    base = pl.multiple_of(row0 + grp * _G, 8)
    return out_hbm.at[pl.ds(base, _G)]

  @pl.loop(0, _NSTEP)
  def _gather_loop(step):
    pltpu.sync_copy(idx_hbm.at[wid, step], idx_v)
    bank = (step % 2) * _GPS

    @pl.when(step >= 2)
    def _drain_old_stores():
      for _ in range(_GPS):
        pltpu.make_async_copy(bufs.at[0], _out_slice(0), ssem).wait()

    descs = [
        pltpu.async_copy(pooled_hbm.at[idx_v.at[g]], bufs.at[bank + g], gsem)
        for g in range(_GPS)
    ]
    for d in descs:
      d.wait()
    for g in range(_GPS):
      pltpu.async_copy(bufs.at[bank + g], _out_slice(step * _GPS + g), ssem)

  for _ in range(2 * _GPS):
    pltpu.make_async_copy(bufs.at[0], _out_slice(0), ssem).wait()


_phase_c = functools.partial(
    pl.kernel,
    out_type=jax.ShapeDtypeStruct((_N, _F), jnp.float32),
    mesh=_mesh,
    scratch_types=[
        pltpu.VMEM((_GPS, _G), jnp.int32),
        pltpu.VMEM((2 * _GPS, _G, _F), jnp.float32),
        pltpu.SemaphoreType.DMA,
        pltpu.SemaphoreType.DMA,
    ],
)(_phase_c_body)


@jax.jit
def kernel(input, index):
  idx4d = index.astype(jnp.int32).reshape(_NW, _NSTEP, _GPS, _G)
  z128 = jnp.zeros((_ST, _F), jnp.float32)
  ones128 = jnp.ones((_G, _F), jnp.float32)

  psum, pcnt = _phase_a(input, idx4d, z128, ones128)

  pooled = pl.pallas_call(
      _combine_body,
      out_shape=jax.ShapeDtypeStruct((_ST, _F), jnp.float32),
  )(psum[0], psum[1], pcnt[0], pcnt[1])

  return _phase_c(pooled, idx4d)

# --- scband reference (transcript-rebuilt; emitter-appended) ---
"""Pipeline reference for scband-sparse-pool-43774306681224 (READ-ONLY COPY).

The authoritative reference and input builder live on the scoring server;
editing this copy changes nothing except your own understanding.
"""

import jax, jax.numpy as jnp
import numpy as np

OUT_SIZE = 10000
OUT_FEATURES = 128
N = 320000
EPS = 1e-09


def setup_inputs(seed: int = 0) -> dict:
    key = jax.random.key(seed)
    k1, k2 = jax.random.split(key)
    x = jax.random.normal(k1, (N, OUT_FEATURES), dtype=jnp.float32)
    index = jnp.sort(jax.random.randint(k2, (N,), 0, OUT_SIZE, dtype=jnp.int64))
    return {"input": x, "index": index}


def reference(input, index):
    # norm: counts per segment + eps (computed from index at init time in the torch module)
    norm = jnp.zeros((OUT_SIZE,), dtype=jnp.float32).at[index].add(
        jnp.ones(index.shape, dtype=jnp.float32)
    ) + EPS
    # scatter-add pooling
    output = jnp.zeros((OUT_SIZE, OUT_FEATURES), dtype=jnp.float32).at[index].add(input)
    pooled = output / norm[:, None]
    # keep_dims=True: broadcast pooled values back to each element via gather
    return jnp.take(pooled, index, axis=0)

if __name__ == "__main__":
    import jax
    _d = setup_inputs()
    print(jax.jit(kernel)(*tuple(_d.values())))

</pallas_src>

<mosaic_0001>
#map = affine_map<(d0, d1) -> (0, 0)>
#map1 = affine_map<(d0, d1) -> (0, 0, 0, 0)>
module attributes {stable_mosaic.version = 14 : i64} {
  func.func @_phase_c_body(%arg0: i32, %arg1: i32, %arg2: memref<10240x128xf32, #tpu.memory_space<hbm>>, %arg3: memref<32x25x5x80xi32, #tpu.memory_space<hbm>>, %arg4: memref<320000x128xf32, #tpu.memory_space<hbm>>, %arg5: memref<5x80xi32, #tpu.memory_space<vmem>>, %arg6: memref<10x80x128xf32, #tpu.memory_space<vmem>>, %arg7: memref<!tpu.dma_semaphore, #tpu.memory_space<semaphore_mem>>, %arg8: memref<!tpu.dma_semaphore, #tpu.memory_space<semaphore_mem>>) attributes {dimension_semantics = [#tpu.dimension_semantics<core_parallel>, #tpu.dimension_semantics<subcore_parallel>], iteration_bounds = array<i64: 2, 16>, scalar_prefetch = 0 : i64, scratch_operands = 4 : i64, tpu.core_type = #tpu.core_type<sc_vector_subcore>, window_params = [{transform_indices = #map}, {transform_indices = #map1}, {transform_indices = #map}]} {
    %mul3A = arith.constant 2 : i32
    %mul3A_0 = arith.muli %arg1, %mul3A : i32
    %add3A = arith.addi %mul3A_0, %arg0 : i32
    %mul3A_1 = arith.constant 10000 : i32
    %mul3A_2 = arith.muli %add3A, %mul3A_1 : i32
    %scan3A = arith.constant 0 : i32
    %scan3A_3 = arith.constant 25 : i32
    %scan3A_4 = arith.addi %scan3A, %scan3A_3 : i32
    %scan3A_5 = arith.constant 1 : i32
    scf.for %scan3A_165 = %scan3A to %scan3A_4 step %scan3A_5  : i32 {
      %mul3A_166 = arith.constant 1 : i32
      %mul3A_167 = arith.muli %scan3A_165, %mul3A_166 : i32
      %add3A_168 = arith.constant 0 : i32
      %add3A_169 = arith.addi %add3A_168, %mul3A_167 : i32
      "tpu.region"() ({
        %run_scoped3A = tpu.sem_alloc : memref<!tpu.dma_semaphore, #tpu.memory_space<semaphore_mem>>
        %dma_start3A_412 = arith.constant 0 : i32
        %dma_start3A_413 = arith.constant 0 : i32
        %dma_start3A_414 = tpu.memref_slice %arg3[%add3A, %add3A_169, %dma_start3A_412, %dma_start3A_413] : memref<32x25x5x80xi32, #tpu.memory_space<hbm>> -> memref<1x1x5x80xi32, #tpu.memory_space<hbm>>
        %dma_start3A_415 = tpu.memref_squeeze %dma_start3A_414 : memref<1x1x5x80xi32, #tpu.memory_space<hbm>> -> memref<5x80xi32, #tpu.memory_space<hbm>>
        %dma_start3A_416 = arith.constant 0 : i32
        %dma_start3A_417 = arith.constant 0 : i32
        %dma_start3A_418 = tpu.memref_slice %arg3[%add3A, %add3A_169, %dma_start3A_416, %dma_start3A_417] : memref<32x25x5x80xi32, #tpu.memory_space<hbm>> -> memref<1x1x5x80xi32, #tpu.memory_space<hbm>>
        %dma_start3A_419 = tpu.memref_squeeze %dma_start3A_418 : memref<1x1x5x80xi32, #tpu.memory_space<hbm>> -> memref<5x80xi32, #tpu.memory_space<hbm>>
        tpu.enqueue_dma source(%dma_start3A_419 : memref<5x80xi32, #tpu.memory_space<hbm>>) target(%arg5 : memref<5x80xi32, #tpu.memory_space<vmem>>) target_semaphore(%run_scoped3A : memref<!tpu.dma_semaphore, #tpu.memory_space<semaphore_mem>>)
        %dma_wait3A_420 = arith.constant 0 : i32
        %dma_wait3A_421 = arith.constant 0 : i32
        %dma_wait3A_422 = tpu.memref_slice %arg3[%add3A, %add3A_169, %dma_wait3A_420, %dma_wait3A_421] : memref<32x25x5x80xi32, #tpu.memory_space<hbm>> -> memref<1x1x5x80xi32, #tpu.memory_space<hbm>>
        %dma_wait3A_423 = tpu.memref_squeeze %dma_wait3A_422 : memref<1x1x5x80xi32, #tpu.memory_space<hbm>> -> memref<5x80xi32, #tpu.memory_space<hbm>>
        %dma_wait3A_424 = arith.constant 0 : i32
        %dma_wait3A_425 = arith.constant 0 : i32
        %dma_wait3A_426 = tpu.memref_slice %arg3[%add3A, %add3A_169, %dma_wait3A_424, %dma_wait3A_425] : memref<32x25x5x80xi32, #tpu.memory_space<hbm>> -> memref<1x1x5x80xi32, #tpu.memory_space<hbm>>
        %dma_wait3A_427 = tpu.memref_squeeze %dma_wait3A_426 : memref<1x1x5x80xi32, #tpu.memory_space<hbm>> -> memref<5x80xi32, #tpu.memory_space<hbm>>
        tpu.wait_dma2 semaphore(%run_scoped3A : memref<!tpu.dma_semaphore, #tpu.memory_space<semaphore_mem>>) src(%dma_wait3A_427 : memref<5x80xi32, #tpu.memory_space<hbm>>) dst(%arg5 : memref<5x80xi32, #tpu.memory_space<vmem>>)
        tpu.yield
      }) : () -> ()
      %jit3A = arith.constant 2 : i32
      %eq3A = arith.constant 0 : i32
      %eq3A_170 = arith.cmpi eq, %jit3A, %eq3A : i32
      %jit3A_171 = arith.constant 1 : i32
      %select_n3A = arith.select %eq3A_170, %jit3A_171, %jit3A : i32
      %rem3A = arith.remsi %add3A_169, %select_n3A : i32
      %ne3A = arith.constant 0 : i32
      %ne3A_172 = arith.cmpi ne, %rem3A, %ne3A : i32
      %lt3A = arith.constant 0 : i32
      %lt3A_173 = arith.cmpi slt, %rem3A, %lt3A : i32
      %lt3A_174 = arith.constant 0 : i32
      %lt3A_175 = arith.cmpi slt, %select_n3A, %lt3A_174 : i32
      %ne3A_176 = arith.xori %lt3A_173, %lt3A_175 : i1
      %and3A = arith.andi %ne3A_176, %ne3A_172 : i1
      %add3A_177 = arith.addi %rem3A, %select_n3A : i32
      %select_n3A_178 = arith.select %and3A, %add3A_177, %rem3A : i32
      %mul3A_179 = arith.constant 5 : i32
      %mul3A_180 = arith.muli %select_n3A_178, %mul3A_179 : i32
      %ge3A = arith.constant 2 : i32
      %ge3A_181 = arith.cmpi sge, %add3A_169, %ge3A : i32
      %convert_element_type3A = arith.extui %ge3A_181 : i1 to i32
      %cond3A = arith.constant 0 : i32
      %cond3A_182 = arith.cmpi ne, %convert_element_type3A, %cond3A : i32
      scf.if %cond3A_182 {
        %add3A_412 = arith.constant 0 : i32
        %add3A_413 = arith.addi %mul3A_2, %add3A_412 : i32
        %multiple_of3A_414 = tpu.assume_multiple %add3A_413, 8 : i32
        %dma_wait3A_415 = arith.constant 0 : i32
        %dma_wait3A_416 = arith.constant 0 : i32
        %dma_wait3A_417 = arith.constant 0 : i32
        %dma_wait3A_418 = tpu.memref_slice %arg6[%dma_wait3A_415, %dma_wait3A_416, %dma_wait3A_417] : memref<10x80x128xf32, #tpu.memory_space<vmem>> -> memref<1x80x128xf32, #tpu.memory_space<vmem>>
        %dma_wait3A_419 = tpu.memref_squeeze %dma_wait3A_418 : memref<1x80x128xf32, #tpu.memory_space<vmem>> -> memref<80x128xf32, #tpu.memory_space<vmem>>
        %dma_wait3A_420 = arith.constant 0 : i32
        %dma_wait3A_421 = tpu.memref_slice %arg4[%multiple_of3A_414, %dma_wait3A_420] : memref<320000x128xf32, #tpu.memory_space<hbm>> -> memref<80x128xf32, #tpu.memory_space<hbm>>
        %dma_wait3A_422 = arith.constant 0 : i32
        %dma_wait3A_423 = tpu.memref_slice %arg4[%multiple_of3A_414, %dma_wait3A_422] : memref<320000x128xf32, #tpu.memory_space<hbm>> -> memref<80x128xf32, #tpu.memory_space<hbm>>
        %dma_wait3A_424 = arith.constant 0 : i32
        %dma_wait3A_425 = arith.constant 0 : i32
        %dma_wait3A_426 = tpu.memref_slice %arg6[%dma_wait3A_415, %dma_wait3A_424, %dma_wait3A_425] : memref<10x80x128xf32, #tpu.memory_space<vmem>> -> memref<1x80x128xf32, #tpu.memory_space<vmem>>
        %dma_wait3A_427 = tpu.memref_squeeze %dma_wait3A_426 : memref<1x80x128xf32, #tpu.memory_space<vmem>> -> memref<80x128xf32, #tpu.memory_space<vmem>>
        tpu.wait_dma2 semaphore(%arg8 : memref<!tpu.dma_semaphore, #tpu.memory_space<semaphore_mem>>) src(%dma_wait3A_427 : memref<80x128xf32, #tpu.memory_space<vmem>>) dst(%dma_wait3A_423 : memref<80x128xf32, #tpu.memory_space<hbm>>)
        %add3A_428 = arith.constant 0 : i32
        %add3A_429 = arith.addi %mul3A_2, %add3A_428 : i32
        %multiple_of3A_430 = tpu.assume_multiple %add3A_429, 8 : i32
        %dma_wait3A_431 = arith.constant 0 : i32
        %dma_wait3A_432 = arith.constant 0 : i32
        %dma_wait3A_433 = arith.constant 0 : i32
        %dma_wait3A_434 = tpu.memref_slice %arg6[%dma_wait3A_431, %dma_wait3A_432, %dma_wait3A_433] : memref<10x80x128xf32, #tpu.memory_space<vmem>> -> memref<1x80x128xf32, #tpu.memory_space<vmem>>
        %dma_wait3A_435 = tpu.memref_squeeze %dma_wait3A_434 : memref<1x80x128xf32, #tpu.memory_space<vmem>> -> memref<80x128xf32, #tpu.memory_space<vmem>>
        %dma_wait3A_436 = arith.constant 0 : i32
        %dma_wait3A_437 = tpu.memref_slice %arg4[%multiple_of3A_430, %dma_wait3A_436] : memref<320000x128xf32, #tpu.memory_space<hbm>> -> memref<80x128xf32, #tpu.memory_space<hbm>>
        %dma_wait3A_438 = arith.constant 0 : i32
        %dma_wait3A_439 = tpu.memref_slice %arg4[%multiple_of3A_430, %dma_wait3A_438] : memref<320000x128xf32, #tpu.memory_space<hbm>> -> memref<80x128xf32, #tpu.memory_space<hbm>>
        %dma_wait3A_440 = arith.constant 0 : i32
        %dma_wait3A_441 = arith.constant 0 : i32
        %dma_wait3A_442 = tpu.memref_slice %arg6[%dma_wait3A_431, %dma_wait3A_440, %dma_wait3A_441] : memref<10x80x128xf32, #tpu.memory_space<vmem>> -> memref<1x80x128xf32, #tpu.memory_space<vmem>>
        %dma_wait3A_443 = tpu.memref_squeeze %dma_wait3A_442 : memref<1x80x128xf32, #tpu.memory_space<vmem>> -> memref<80x128xf32, #tpu.memory_space<vmem>>
        tpu.wait_dma2 semaphore(%arg8 : memref<!tpu.dma_semaphore, #tpu.memory_space<semaphore_mem>>) src(%dma_wait3A_443 : memref<80x128xf32, #tpu.memory_space<vmem>>) dst(%dma_wait3A_439 : memref<80x128xf32, #tpu.memory_space<hbm>>)
        %add3A_444 = arith.constant 0 : i32
        %add3A_445 = arith.addi %mul3A_2, %add3A_444 : i32
        %multiple_of3A_446 = tpu.assume_multiple %add3A_445, 8 : i32
        %dma_wait3A_447 = arith.constant 0 : i32
        %dma_wait3A_448 = arith.constant 0 : i32
        %dma_wait3A_449 = arith.constant 0 : i32
        %dma_wait3A_450 = tpu.memref_slice %arg6[%dma_wait3A_447, %dma_wait3A_448, %dma_wait3A_449] : memref<10x80x128xf32, #tpu.memory_space<vmem>> -> memref<1x80x128xf32, #tpu.memory_space<vmem>>
        %dma_wait3A_451 = tpu.memref_squeeze %dma_wait3A_450 : memref<1x80x128xf32, #tpu.memory_space<vmem>> -> memref<80x128xf32, #tpu.memory_space<vmem>>
        %dma_wait3A_452 = arith.constant 0 : i32
        %dma_wait3A_453 = tpu.memref_slice %arg4[%multiple_of3A_446, %dma_wait3A_452] : memref<320000x128xf32, #tpu.memory_space<hbm>> -> memref<80x128xf32, #tpu.memory_space<hbm>>
        %dma_wait3A_454 = arith.constant 0 : i32
        %dma_wait3A_455 = tpu.memref_slice %arg4[%multiple_of3A_446, %dma_wait3A_454] : memref<320000x128xf32, #tpu.memory_space<hbm>> -> memref<80x128xf32, #tpu.memory_space<hbm>>
        %dma_wait3A_456 = arith.constant 0 : i32
        %dma_wait3A_457 = arith.constant 0 : i32
        %dma_wait3A_458 = tpu.memref_slice %arg6[%dma_wait3A_447, %dma_wait3A_456, %dma_wait3A_457] : memref<10x80x128xf32, #tpu.memory_space<vmem>> -> memref<1x80x128xf32, #tpu.memory_space<vmem>>
        %dma_wait3A_459 = tpu.memref_squeeze %dma_wait3A_458 : memref<1x80x128xf32, #tpu.memory_space<vmem>> -> memref<80x128xf32, #tpu.memory_space<vmem>>
        tpu.wait_dma2 semaphore(%arg8 : memref<!tpu.dma_semaphore, #tpu.memory_space<semaphore_mem>>) src(%dma_wait3A_459 : memref<80x128xf32, #tpu.memory_space<vmem>>) dst(%dma_wait3A_455 : memref<80x128xf32, #tpu.memory_space<hbm>>)
        %add3A_460 = arith.constant 0 : i32
        %add3A_461 = arith.addi %mul3A_2, %add3A_460 : i32
        %multiple_of3A_462 = tpu.assume_multiple %add3A_461, 8 : i32
        %dma_wait3A_463 = arith.constant 0 : i32
        %dma_wait3A_464 = arith.constant 0 : i32
        %dma_wait3A_465 = arith.constant 0 : i32
        %dma_wait3A_466 = tpu.memref_slice %arg6[%dma_wait3A_463, %dma_wait3A_464, %dma_wait3A_465] : memref<10x80x128xf32, #tpu.memory_space<vmem>> -> memref<1x80x128xf32, #tpu.memory_space<vmem>>
        %dma_wait3A_467 = tpu.memref_squeeze %dma_wait3A_466 : memref<1x80x128xf32, #tpu.memory_space<vmem>> -> memref<80x128xf32, #tpu.memory_space<vmem>>
        %dma_wait3A_468 = arith.constant 0 : i32
        %dma_wait3A_469 = tpu.memref_slice %arg4[%multiple_of3A_462, %dma_wait3A_468] : memref<320000x128xf32, #tpu.memory_space<hbm>> -> memref<80x128xf32, #tpu.memory_space<hbm>>
        %dma_wait3A_470 = arith.constant 0 : i32
        %dma_wait3A_471 = tpu.memref_slice %arg4[%multiple_of3A_462, %dma_wait3A_470] : memref<320000x128xf32, #tpu.memory_space<hbm>> -> memref<80x128xf32, #tpu.memory_space<hbm>>
        %dma_wait3A_472 = arith.constant 0 : i32
        %dma_wait3A_473 = arith.constant 0 : i32
        %dma_wait3A_474 = tpu.memref_slice %arg6[%dma_wait3A_463, %dma_wait3A_472, %dma_wait3A_473] : memref<10x80x128xf32, #tpu.memory_space<vmem>> -> memref<1x80x128xf32, #tpu.memory_space<vmem>>
        %dma_wait3A_475 = tpu.memref_squeeze %dma_wait3A_474 : memref<1x80x128xf32, #tpu.memory_space<vmem>> -> memref<80x128xf32, #tpu.memory_space<vmem>>
        tpu.wait_dma2 semaphore(%arg8 : memref<!tpu.dma_semaphore, #tpu.memory_space<semaphore_mem>>) src(%dma_wait3A_475 : memref<80x128xf32, #tpu.memory_space<vmem>>) dst(%dma_wait3A_471 : memref<80x128xf32, #tpu.memory_space<hbm>>)
        %add3A_476 = arith.constant 0 : i32
        %add3A_477 = arith.addi %mul3A_2, %add3A_476 : i32
        %multiple_of3A_478 = tpu.assume_multiple %add3A_477, 8 : i32
        %dma_wait3A_479 = arith.constant 0 : i32
        %dma_wait3A_480 = arith.constant 0 : i32
        %dma_wait3A_481 = arith.constant 0 : i32
        %dma_wait3A_482 = tpu.memref_slice %arg6[%dma_wait3A_479, %dma_wait3A_480, %dma_wait3A_481] : memref<10x80x128xf32, #tpu.memory_space<vmem>> -> memref<1x80x128xf32, #tpu.memory_space<vmem>>
        %dma_wait3A_483 = tpu.memref_squeeze %dma_wait3A_482 : memref<1x80x128xf32, #tpu.memory_space<vmem>> -> memref<80x128xf32, #tpu.memory_space<vmem>>
        %dma_wait3A_484 = arith.constant 0 : i32
        %dma_wait3A_485 = tpu.memref_slice %arg4[%multiple_of3A_478, %dma_wait3A_484] : memref<320000x128xf32, #tpu.memory_space<hbm>> -> memref<80x128xf32, #tpu.memory_space<hbm>>
        %dma_wait3A_486 = arith.constant 0 : i32
        %dma_wait3A_487 = tpu.memref_slice %arg4[%multiple_of3A_478, %dma_wait3A_486] : memref<320000x128xf32, #tpu.memory_space<hbm>> -> memref<80x128xf32, #tpu.memory_space<hbm>>
        %dma_wait3A_488 = arith.constant 0 : i32
        %dma_wait3A_489 = arith.constant 0 : i32
        %dma_wait3A_490 = tpu.memref_slice %arg6[%dma_wait3A_479, %dma_wait3A_488, %dma_wait3A_489] : memref<10x80x128xf32, #tpu.memory_space<vmem>> -> memref<1x80x128xf32, #tpu.memory_space<vmem>>
        %dma_wait3A_491 = tpu.memref_squeeze %dma_wait3A_490 : memref<1x80x128xf32, #tpu.memory_space<vmem>> -> memref<80x128xf32, #tpu.memory_space<vmem>>
        tpu.wait_dma2 semaphore(%arg8 : memref<!tpu.dma_semaphore, #tpu.memory_space<semaphore_mem>>) src(%dma_wait3A_491 : memref<80x128xf32, #tpu.memory_space<vmem>>) dst(%dma_wait3A_487 : memref<80x128xf32, #tpu.memory_space<hbm>>)
      } else {
      }
      %add3A_183 = arith.constant 0 : i32
      %add3A_184 = arith.addi %mul3A_180, %add3A_183 : i32
      %dma_start3A = arith.constant 0 : i32
      %dma_start3A_185 = arith.constant 0 : i32
      %dma_start3A_186 = arith.constant 0 : i32
      %dma_start3A_187 = tpu.memref_slice %arg6[%add3A_184, %dma_start3A_185, %dma_start3A_186] : memref<10x80x128xf32, #tpu.memory_space<vmem>> -> memref<1x80x128xf32, #tpu.memory_space<vmem>>
      %dma_start3A_188 = tpu.memref_squeeze %dma_start3A_187 : memref<1x80x128xf32, #tpu.memory_space<vmem>> -> memref<80x128xf32, #tpu.memory_space<vmem>>
      %dma_start3A_189 = arith.constant 0 : i32
      %dma_start3A_190 = tpu.memref_slice %arg5[%dma_start3A, %dma_start3A_189] : memref<5x80xi32, #tpu.memory_space<vmem>> -> memref<1x80xi32, #tpu.memory_space<vmem>>
      %dma_start3A_191 = tpu.memref_squeeze %dma_start3A_190 : memref<1x80xi32, #tpu.memory_space<vmem>> -> memref<80xi32, #tpu.memory_space<vmem>>
      %dma_start3A_192 = arith.constant 0 : i32
      %dma_start3A_193 = arith.constant 0 : i32
      %dma_start3A_194 = tpu.memref_slice %arg2[%dma_start3A_192, %dma_start3A_193] : memref<10240x128xf32, #tpu.memory_space<hbm>> -> memref<10240x128xf32, #tpu.memory_space<hbm>>
      tpu.enqueue_indirect_dma source(%dma_start3A_194 : memref<10240x128xf32, #tpu.memory_space<hbm>>) target(%dma_start3A_188 : memref<80x128xf32, #tpu.memory_space<vmem>>) offsets(%dma_start3A_191 : memref<80xi32, #tpu.memory_space<vmem>>) semaphore(%arg7 : memref<!tpu.dma_semaphore, #tpu.memory_space<semaphore_mem>>)
      %add3A_195 = arith.constant 1 : i32
      %add3A_196 = arith.addi %mul3A_180, %add3A_195 : i32
      %dma_start3A_197 = arith.constant 1 : i32
      %dma_start3A_198 = arith.constant 0 : i32
      %dma_start3A_199 = arith.constant 0 : i32
      %dma_start3A_200 = tpu.memref_slice %arg6[%add3A_196, %dma_start3A_198, %dma_start3A_199] : memref<10x80x128xf32, #tpu.memory_space<vmem>> -> memref<1x80x128xf32, #tpu.memory_space<vmem>>
      %dma_start3A_201 = tpu.memref_squeeze %dma_start3A_200 : memref<1x80x128xf32, #tpu.memory_space<vmem>> -> memref<80x128xf32, #tpu.memory_space<vmem>>
      %dma_start3A_202 = arith.constant 0 : i32
      %dma_start3A_203 = tpu.memref_slice %arg5[%dma_start3A_197, %dma_start3A_202] : memref<5x80xi32, #tpu.memory_space<vmem>> -> memref<1x80xi32, #tpu.memory_space<vmem>>
      %dma_start3A_204 = tpu.memref_squeeze %dma_start3A_203 : memref<1x80xi32, #tpu.memory_space<vmem>> -> memref<80xi32, #tpu.memory_space<vmem>>
      %dma_start3A_205 = arith.constant 0 : i32
      %dma_start3A_206 = arith.constant 0 : i32
      %dma_start3A_207 = tpu.memref_slice %arg2[%dma_start3A_205, %dma_start3A_206] : memref<10240x128xf32, #tpu.memory_space<hbm>> -> memref<10240x128xf32, #tpu.memory_space<hbm>>
      tpu.enqueue_indirect_dma source(%dma_start3A_207 : memref<10240x128xf32, #tpu.memory_space<hbm>>) target(%dma_start3A_201 : memref<80x128xf32, #tpu.memory_space<vmem>>) offsets(%dma_start3A_204 : memref<80xi32, #tpu.memory_space<vmem>>) semaphore(%arg7 : memref<!tpu.dma_semaphore, #tpu.memory_space<semaphore_mem>>)
      %add3A_208 = arith.constant 2 : i32
      %add3A_209 = arith.addi %mul3A_180, %add3A_208 : i32
      %dma_start3A_210 = arith.constant 2 : i32
      %dma_start3A_211 = arith.constant 0 : i32
      %dma_start3A_212 = arith.constant 0 : i32
      %dma_start3A_213 = tpu.memref_slice %arg6[%add3A_209, %dma_start3A_211, %dma_start3A_212] : memref<10x80x128xf32, #tpu.memory_space<vmem>> -> memref<1x80x128xf32, #tpu.memory_space<vmem>>
      %dma_start3A_214 = tpu.memref_squeeze %dma_start3A_213 : memref<1x80x128xf32, #tpu.memory_space<vmem>> -> memref<80x128xf32, #tpu.memory_space<vmem>>
      %dma_start3A_215 = arith.constant 0 : i32
      %dma_start3A_216 = tpu.memref_slice %arg5[%dma_start3A_210, %dma_start3A_215] : memref<5x80xi32, #tpu.memory_space<vmem>> -> memref<1x80xi32, #tpu.memory_space<vmem>>
      %dma_start3A_217 = tpu.memref_squeeze %dma_start3A_216 : memref<1x80xi32, #tpu.memory_space<vmem>> -> memref<80xi32, #tpu.memory_space<vmem>>
      %dma_start3A_218 = arith.constant 0 : i32
      %dma_start3A_219 = arith.constant 0 : i32
      %dma_start3A_220 = tpu.memref_slice %arg2[%dma_start3A_218, %dma_start3A_219] : memref<10240x128xf32, #tpu.memory_space<hbm>> -> memref<10240x128xf32, #tpu.memory_space<hbm>>
      tpu.enqueue_indirect_dma source(%dma_start3A_220 : memref<10240x128xf32, #tpu.memory_space<hbm>>) target(%dma_start3A_214 : memref<80x128xf32, #tpu.memory_space<vmem>>) offsets(%dma_start3A_217 : memref<80xi32, #tpu.memory_space<vmem>>) semaphore(%arg7 : memref<!tpu.dma_semaphore, #tpu.memory_space<semaphore_mem>>)
      %add3A_221 = arith.constant 3 : i32
      %add3A_222 = arith.addi %mul3A_180, %add3A_221 : i32
      %dma_start3A_223 = arith.constant 3 : i32
      %dma_start3A_224 = arith.constant 0 : i32
      %dma_start3A_225 = arith.constant 0 : i32
      %dma_start3A_226 = tpu.memref_slice %arg6[%add3A_222, %dma_start3A_224, %dma_start3A_225] : memref<10x80x128xf32, #tpu.memory_space<vmem>> -> memref<1x80x128xf32, #tpu.memory_space<vmem>>
      %dma_start3A_227 = tpu.memref_squeeze %dma_start3A_226 : memref<1x80x128xf32, #tpu.memory_space<vmem>> -> memref<80x128xf32, #tpu.memory_space<vmem>>
      %dma_start3A_228 = arith.constant 0 : i32
      %dma_start3A_229 = tpu.memref_slice %arg5[%dma_start3A_223, %dma_start3A_228] : memref<5x80xi32, #tpu.memory_space<vmem>> -> memref<1x80xi32, #tpu.memory_space<vmem>>
      %dma_start3A_230 = tpu.memref_squeeze %dma_start3A_229 : memref<1x80xi32, #tpu.memory_space<vmem>> -> memref<80xi32, #tpu.memory_space<vmem>>
      %dma_start3A_231 = arith.constant 0 : i32
      %dma_start3A_232 = arith.constant 0 : i32
      %dma_start3A_233 = tpu.memref_slice %arg2[%dma_start3A_231, %dma_start3A_232] : memref<10240x128xf32, #tpu.memory_space<hbm>> -> memref<10240x128xf32, #tpu.memory_space<hbm>>
      tpu.enqueue_indirect_dma source(%dma_start3A_233 : memref<10240x128xf32, #tpu.memory_space<hbm>>) target(%dma_start3A_227 : memref<80x128xf32, #tpu.memory_space<vmem>>) offsets(%dma_start3A_230 : memref<80xi32, #tpu.memory_space<vmem>>) semaphore(%arg7 : memref<!tpu.dma_semaphore, #tpu.memory_space<semaphore_mem>>)
      %add3A_234 = arith.constant 4 : i32
      %add3A_235 = arith.addi %mul3A_180, %add3A_234 : i32
      %dma_start3A_236 = arith.constant 4 : i32
      %dma_start3A_237 = arith.constant 0 : i32
      %dma_start3A_238 = arith.constant 0 : i32
      %dma_start3A_239 = tpu.memref_slice %arg6[%add3A_235, %dma_start3A_237, %dma_start3A_238] : memref<10x80x128xf32, #tpu.memory_space<vmem>> -> memref<1x80x128xf32, #tpu.memory_space<vmem>>
      %dma_start3A_240 = tpu.memref_squeeze %dma_start3A_239 : memref<1x80x128xf32, #tpu.memory_space<vmem>> -> memref<80x128xf32, #tpu.memory_space<vmem>>
      %dma_start3A_241 = arith.constant 0 : i32
      %dma_start3A_242 = tpu.memref_slice %arg5[%dma_start3A_236, %dma_start3A_241] : memref<5x80xi32, #tpu.memory_space<vmem>> -> memref<1x80xi32, #tpu.memory_space<vmem>>
      %dma_start3A_243 = tpu.memref_squeeze %dma_start3A_242 : memref<1x80xi32, #tpu.memory_space<vmem>> -> memref<80xi32, #tpu.memory_space<vmem>>
      %dma_start3A_244 = arith.constant 0 : i32
      %dma_start3A_245 = arith.constant 0 : i32
      %dma_start3A_246 = tpu.memref_slice %arg2[%dma_start3A_244, %dma_start3A_245] : memref<10240x128xf32, #tpu.memory_space<hbm>> -> memref<10240x128xf32, #tpu.memory_space<hbm>>
      tpu.enqueue_indirect_dma source(%dma_start3A_246 : memref<10240x128xf32, #tpu.memory_space<hbm>>) target(%dma_start3A_240 : memref<80x128xf32, #tpu.memory_space<vmem>>) offsets(%dma_start3A_243 : memref<80xi32, #tpu.memory_space<vmem>>) semaphore(%arg7 : memref<!tpu.dma_semaphore, #tpu.memory_space<semaphore_mem>>)
      %dma_wait3A_247 = arith.constant 0 : i32
      %dma_wait3A_248 = arith.constant 0 : i32
      %dma_wait3A_249 = arith.constant 0 : i32
      %dma_wait3A_250 = tpu.memref_slice %arg6[%add3A_184, %dma_wait3A_248, %dma_wait3A_249] : memref<10x80x128xf32, #tpu.memory_space<vmem>> -> memref<1x80x128xf32, #tpu.memory_space<vmem>>
      %dma_wait3A_251 = tpu.memref_squeeze %dma_wait3A_250 : memref<1x80x128xf32, #tpu.memory_space<vmem>> -> memref<80x128xf32, #tpu.memory_space<vmem>>
      %dma_wait3A_252 = arith.constant 0 : i32
      %dma_wait3A_253 = tpu.memref_slice %arg5[%dma_wait3A_247, %dma_wait3A_252] : memref<5x80xi32, #tpu.memory_space<vmem>> -> memref<1x80xi32, #tpu.memory_space<vmem>>
      %dma_wait3A_254 = tpu.memref_squeeze %dma_wait3A_253 : memref<1x80xi32, #tpu.memory_space<vmem>> -> memref<80xi32, #tpu.memory_space<vmem>>
      %dma_wait3A_255 = arith.constant 0 : i32
      %dma_wait3A_256 = arith.constant 0 : i32
      %dma_wait3A_257 = tpu.memref_slice %arg2[%dma_wait3A_255, %dma_wait3A_256] : memref<10240x128xf32, #tpu.memory_space<hbm>> -> memref<10240x128xf32, #tpu.memory_space<hbm>>
      tpu.wait_indirect_dma semaphore(%arg7 : memref<!tpu.dma_semaphore, #tpu.memory_space<semaphore_mem>>) src(%dma_wait3A_257 : memref<10240x128xf32, #tpu.memory_space<hbm>>) dst(%dma_wait3A_251 : memref<80x128xf32, #tpu.memory_space<vmem>>)
      %dma_wait3A_258 = arith.constant 1 : i32
      %dma_wait3A_259 = arith.constant 0 : i32
      %dma_wait3A_260 = arith.constant 0 : i32
      %dma_wait3A_261 = tpu.memref_slice %arg6[%add3A_196, %dma_wait3A_259, %dma_wait3A_260] : memref<10x80x128xf32, #tpu.memory_space<vmem>> -> memref<1x80x128xf32, #tpu.memory_space<vmem>>
      %dma_wait3A_262 = tpu.memref_squeeze %dma_wait3A_261 : memref<1x80x128xf32, #tpu.memory_space<vmem>> -> memref<80x128xf32, #tpu.memory_space<vmem>>
      %dma_wait3A_263 = arith.constant 0 : i32
      %dma_wait3A_264 = tpu.memref_slice %arg5[%dma_wait3A_258, %dma_wait3A_263] : memref<5x80xi32, #tpu.memory_space<vmem>> -> memref<1x80xi32, #tpu.memory_space<vmem>>
      %dma_wait3A_265 = tpu.memref_squeeze %dma_wait3A_264 : memref<1x80xi32, #tpu.memory_space<vmem>> -> memref<80xi32, #tpu.memory_space<vmem>>
      %dma_wait3A_266 = arith.constant 0 : i32
      %dma_wait3A_267 = arith.constant 0 : i32
      %dma_wait3A_268 = tpu.memref_slice %arg2[%dma_wait3A_266, %dma_wait3A_267] : memref<10240x128xf32, #tpu.memory_space<hbm>> -> memref<10240x128xf32, #tpu.memory_space<hbm>>
      tpu.wait_indirect_dma semaphore(%arg7 : memref<!tpu.dma_semaphore, #tpu.memory_space<semaphore_mem>>) src(%dma_wait3A_268 : memref<10240x128xf32, #tpu.memory_space<hbm>>) dst(%dma_wait3A_262 : memref<80x128xf32, #tpu.memory_space<vmem>>)
      %dma_wait3A_269 = arith.constant 2 : i32
      %dma_wait3A_270 = arith.constant 0 : i32
      %dma_wait3A_271 = arith.constant 0 : i32
      %dma_wait3A_272 = tpu.memref_slice %arg6[%add3A_209, %dma_wait3A_270, %dma_wait3A_271] : memref<10x80x128xf32, #tpu.memory_space<vmem>> -> memref<1x80x128xf32, #tpu.memory_space<vmem>>
      %dma_wait3A_273 = tpu.memref_squeeze %dma_wait3A_272 : memref<1x80x128xf32, #tpu.memory_space<vmem>> -> memref<80x128xf32, #tpu.memory_space<vmem>>
      %dma_wait3A_274 = arith.constant 0 : i32
      %dma_wait3A_275 = tpu.memref_slice %arg5[%dma_wait3A_269, %dma_wait3A_274] : memref<5x80xi32, #tpu.memory_space<vmem>> -> memref<1x80xi32, #tpu.memory_space<vmem>>
      %dma_wait3A_276 = tpu.memref_squeeze %dma_wait3A_275 : memref<1x80xi32, #tpu.memory_space<vmem>> -> memref<80xi32, #tpu.memory_space<vmem>>
      %dma_wait3A_277 = arith.constant 0 : i32
      %dma_wait3A_278 = arith.constant 0 : i32
      %dma_wait3A_279 = tpu.memref_slice %arg2[%dma_wait3A_277, %dma_wait3A_278] : memref<10240x128xf32, #tpu.memory_space<hbm>> -> memref<10240x128xf32, #tpu.memory_space<hbm>>
      tpu.wait_indirect_dma semaphore(%arg7 : memref<!tpu.dma_semaphore, #tpu.memory_space<semaphore_mem>>) src(%dma_wait3A_279 : memref<10240x128xf32, #tpu.memory_space<hbm>>) dst(%dma_wait3A_273 : memref<80x128xf32, #tpu.memory_space<vmem>>)
      %dma_wait3A_280 = arith.constant 3 : i32
      %dma_wait3A_281 = arith.constant 0 : i32
      %dma_wait3A_282 = arith.constant 0 : i32
      %dma_wait3A_283 = tpu.memref_slice %arg6[%add3A_222, %dma_wait3A_281, %dma_wait3A_282] : memref<10x80x128xf32, #tpu.memory_space<vmem>> -> memref<1x80x128xf32, #tpu.memory_space<vmem>>
      %dma_wait3A_284 = tpu.memref_squeeze %dma_wait3A_283 : memref<1x80x128xf32, #tpu.memory_space<vmem>> -> memref<80x128xf32, #tpu.memory_space<vmem>>
      %dma_wait3A_285 = arith.constant 0 : i32
      %dma_wait3A_286 = tpu.memref_slice %arg5[%dma_wait3A_280, %dma_wait3A_285] : memref<5x80xi32, #tpu.memory_space<vmem>> -> memref<1x80xi32, #tpu.memory_space<vmem>>
      %dma_wait3A_287 = tpu.memref_squeeze %dma_wait3A_286 : memref<1x80xi32, #tpu.memory_space<vmem>> -> memref<80xi32, #tpu.memory_space<vmem>>
      %dma_wait3A_288 = arith.constant 0 : i32
      %dma_wait3A_289 = arith.constant 0 : i32
      %dma_wait3A_290 = tpu.memref_slice %arg2[%dma_wait3A_288, %dma_wait3A_289] : memref<10240x128xf32, #tpu.memory_space<hbm>> -> memref<10240x128xf32, #tpu.memory_space<hbm>>
      tpu.wait_indirect_dma semaphore(%arg7 : memref<!tpu.dma_semaphore, #tpu.memory_space<semaphore_mem>>) src(%dma_wait3A_290 : memref<10240x128xf32, #tpu.memory_space<hbm>>) dst(%dma_wait3A_284 : memref<80x128xf32, #tpu.memory_space<vmem>>)
      %dma_wait3A_291 = arith.constant 4 : i32
      %dma_wait3A_292 = arith.constant 0 : i32
      %dma_wait3A_293 = arith.constant 0 : i32
      %dma_wait3A_294 = tpu.memref_slice %arg6[%add3A_235, %dma_wait3A_292, %dma_wait3A_293] : memref<10x80x128xf32, #tpu.memory_space<vmem>> -> memref<1x80x128xf32, #tpu.memory_space<vmem>>
      %dma_wait3A_295 = tpu.memref_squeeze %dma_wait3A_294 : memref<1x80x128xf32, #tpu.memory_space<vmem>> -> memref<80x128xf32, #tpu.memory_space<vmem>>
      %dma_wait3A_296 = arith.constant 0 : i32
      %dma_wait3A_297 = tpu.memref_slice %arg5[%dma_wait3A_291, %dma_wait3A_296] : memref<5x80xi32, #tpu.memory_space<vmem>> -> memref<1x80xi32, #tpu.memory_space<vmem>>
      %dma_wait3A_298 = tpu.memref_squeeze %dma_wait3A_297 : memref<1x80xi32, #tpu.memory_space<vmem>> -> memref<80xi32, #tpu.memory_space<vmem>>
      %dma_wait3A_299 = arith.constant 0 : i32
      %dma_wait3A_300 = arith.constant 0 : i32
      %dma_wait3A_301 = tpu.memref_slice %arg2[%dma_wait3A_299, %dma_wait3A_300] : memref<10240x128xf32, #tpu.memory_space<hbm>> -> memref<10240x128xf32, #tpu.memory_space<hbm>>
      tpu.wait_indirect_dma semaphore(%arg7 : memref<!tpu.dma_semaphore, #tpu.memory_space<semaphore_mem>>) src(%dma_wait3A_301 : memref<10240x128xf32, #tpu.memory_space<hbm>>) dst(%dma_wait3A_295 : memref<80x128xf32, #tpu.memory_space<vmem>>)
      %add3A_302 = arith.constant 0 : i32
      %add3A_303 = arith.addi %mul3A_180, %add3A_302 : i32
      %mul3A_304 = arith.constant 5 : i32
      %mul3A_305 = arith.muli %add3A_169, %mul3A_304 : i32
      %add3A_306 = arith.constant 0 : i32
      %add3A_307 = arith.addi %mul3A_305, %add3A_306 : i32
      %mul3A_308 = arith.constant 80 : i32
      %mul3A_309 = arith.muli %add3A_307, %mul3A_308 : i32
      %add3A_310 = arith.addi %mul3A_2, %mul3A_309 : i32
      %multiple_of3A_311 = tpu.assume_multiple %add3A_310, 8 : i32
      %dma_start3A_312 = arith.constant 0 : i32
      %dma_start3A_313 = arith.constant 0 : i32
      %dma_start3A_314 = tpu.memref_slice %arg6[%add3A_303, %dma_start3A_312, %dma_start3A_313] : memref<10x80x128xf32, #tpu.memory_space<vmem>> -> memref<1x80x128xf32, #tpu.memory_space<vmem>>
      %dma_start3A_315 = tpu.memref_squeeze %dma_start3A_314 : memref<1x80x128xf32, #tpu.memory_space<vmem>> -> memref<80x128xf32, #tpu.memory_space<vmem>>
      %dma_start3A_316 = arith.constant 0 : i32
      %dma_start3A_317 = tpu.memref_slice %arg4[%multiple_of3A_311, %dma_start3A_316] : memref<320000x128xf32, #tpu.memory_space<hbm>> -> memref<80x128xf32, #tpu.memory_space<hbm>>
      %dma_start3A_318 = arith.constant 0 : i32
      %dma_start3A_319 = tpu.memref_slice %arg4[%multiple_of3A_311, %dma_start3A_318] : memref<320000x128xf32, #tpu.memory_space<hbm>> -> memref<80x128xf32, #tpu.memory_space<hbm>>
      %dma_start3A_320 = arith.constant 0 : i32
      %dma_start3A_321 = arith.constant 0 : i32
      %dma_start3A_322 = tpu.memref_slice %arg6[%add3A_303, %dma_start3A_320, %dma_start3A_321] : memref<10x80x128xf32, #tpu.memory_space<vmem>> -> memref<1x80x128xf32, #tpu.memory_space<vmem>>
      %dma_start3A_323 = tpu.memref_squeeze %dma_start3A_322 : memref<1x80x128xf32, #tpu.memory_space<vmem>> -> memref<80x128xf32, #tpu.memory_space<vmem>>
      tpu.enqueue_dma source(%dma_start3A_323 : memref<80x128xf32, #tpu.memory_space<vmem>>) target(%dma_start3A_319 : memref<80x128xf32, #tpu.memory_space<hbm>>) target_semaphore(%arg8 : memref<!tpu.dma_semaphore, #tpu.memory_space<semaphore_mem>>)
      %add3A_324 = arith.constant 1 : i32
      %add3A_325 = arith.addi %mul3A_180, %add3A_324 : i32
      %mul3A_326 = arith.constant 5 : i32
      %mul3A_327 = arith.muli %add3A_169, %mul3A_326 : i32
      %add3A_328 = arith.constant 1 : i32
      %add3A_329 = arith.addi %mul3A_327, %add3A_328 : i32
      %mul3A_330 = arith.constant 80 : i32
      %mul3A_331 = arith.muli %add3A_329, %mul3A_330 : i32
      %add3A_332 = arith.addi %mul3A_2, %mul3A_331 : i32
      %multiple_of3A_333 = tpu.assume_multiple %add3A_332, 8 : i32
      %dma_start3A_334 = arith.constant 0 : i32
      %dma_start3A_335 = arith.constant 0 : i32
      %dma_start3A_336 = tpu.memref_slice %arg6[%add3A_325, %dma_start3A_334, %dma_start3A_335] : memref<10x80x128xf32, #tpu.memory_space<vmem>> -> memref<1x80x128xf32, #tpu.memory_space<vmem>>
      %dma_start3A_337 = tpu.memref_squeeze %dma_start3A_336 : memref<1x80x128xf32, #tpu.memory_space<vmem>> -> memref<80x128xf32, #tpu.memory_space<vmem>>
      %dma_start3A_338 = arith.constant 0 : i32
      %dma_start3A_339 = tpu.memref_slice %arg4[%multiple_of3A_333, %dma_start3A_338] : memref<320000x128xf32, #tpu.memory_space<hbm>> -> memref<80x128xf32, #tpu.memory_space<hbm>>
      %dma_start3A_340 = arith.constant 0 : i32
      %dma_start3A_341 = tpu.memref_slice %arg4[%multiple_of3A_333, %dma_start3A_340] : memref<320000x128xf32, #tpu.memory_space<hbm>> -> memref<80x128xf32, #tpu.memory_space<hbm>>
      %dma_start3A_342 = arith.constant 0 : i32
      %dma_start3A_343 = arith.constant 0 : i32
      %dma_start3A_344 = tpu.memref_slice %arg6[%add3A_325, %dma_start3A_342, %dma_start3A_343] : memref<10x80x128xf32, #tpu.memory_space<vmem>> -> memref<1x80x128xf32, #tpu.memory_space<vmem>>
      %dma_start3A_345 = tpu.memref_squeeze %dma_start3A_344 : memref<1x80x128xf32, #tpu.memory_space<vmem>> -> memref<80x128xf32, #tpu.memory_space<vmem>>
      tpu.enqueue_dma source(%dma_start3A_345 : memref<80x128xf32, #tpu.memory_space<vmem>>) target(%dma_start3A_341 : memref<80x128xf32, #tpu.memory_space<hbm>>) target_semaphore(%arg8 : memref<!tpu.dma_semaphore, #tpu.memory_space<semaphore_mem>>)
      %add3A_346 = arith.constant 2 : i32
      %add3A_347 = arith.addi %mul3A_180, %add3A_346 : i32
      %mul3A_348 = arith.constant 5 : i32
      %mul3A_349 = arith.muli %add3A_169, %mul3A_348 : i32
      %add3A_350 = arith.constant 2 : i32
      %add3A_351 = arith.addi %mul3A_349, %add3A_350 : i32
      %mul3A_352 = arith.constant 80 : i32
      %mul3A_353 = arith.muli %add3A_351, %mul3A_352 : i32
      %add3A_354 = arith.addi %mul3A_2, %mul3A_353 : i32
      %multiple_of3A_355 = tpu.assume_multiple %add3A_354, 8 : i32
      %dma_start3A_356 = arith.constant 0 : i32
      %dma_start3A_357 = arith.constant 0 : i32
      %dma_start3A_358 = tpu.memref_slice %arg6[%add3A_347, %dma_start3A_356, %dma_start3A_357] : memref<10x80x128xf32, #tpu.memory_space<vmem>> -> memref<1x80x128xf32, #tpu.memory_space<vmem>>
      %dma_start3A_359 = tpu.memref_squeeze %dma_start3A_358 : memref<1x80x128xf32, #tpu.memory_space<vmem>> -> memref<80x128xf32, #tpu.memory_space<vmem>>
      %dma_start3A_360 = arith.constant 0 : i32
      %dma_start3A_361 = tpu.memref_slice %arg4[%multiple_of3A_355, %dma_start3A_360] : memref<320000x128xf32, #tpu.memory_space<hbm>> -> memref<80x128xf32, #tpu.memory_space<hbm>>
      %dma_start3A_362 = arith.constant 0 : i32
      %dma_start3A_363 = tpu.memref_slice %arg4[%multiple_of3A_355, %dma_start3A_362] : memref<320000x128xf32, #tpu.memory_space<hbm>> -> memref<80x128xf32, #tpu.memory_space<hbm>>
      %dma_start3A_364 = arith.constant 0 : i32
      %dma_start3A_365 = arith.constant 0 : i32
      %dma_start3A_366 = tpu.memref_slice %arg6[%add3A_347, %dma_start3A_364, %dma_start3A_365] : memref<10x80x128xf32, #tpu.memory_space<vmem>> -> memref<1x80x128xf32, #tpu.memory_space<vmem>>
      %dma_start3A_367 = tpu.memref_squeeze %dma_start3A_366 : memref<1x80x128xf32, #tpu.memory_space<vmem>> -> memref<80x128xf32, #tpu.memory_space<vmem>>
      tpu.enqueue_dma source(%dma_start3A_367 : memref<80x128xf32, #tpu.memory_space<vmem>>) target(%dma_start3A_363 : memref<80x128xf32, #tpu.memory_space<hbm>>) target_semaphore(%arg8 : memref<!tpu.dma_semaphore, #tpu.memory_space<semaphore_mem>>)
      %add3A_368 = arith.constant 3 : i32
      %add3A_369 = arith.addi %mul3A_180, %add3A_368 : i32
      %mul3A_370 = arith.constant 5 : i32
      %mul3A_371 = arith.muli %add3A_169, %mul3A_370 : i32
      %add3A_372 = arith.constant 3 : i32
      %add3A_373 = arith.addi %mul3A_371, %add3A_372 : i32
      %mul3A_374 = arith.constant 80 : i32
      %mul3A_375 = arith.muli %add3A_373, %mul3A_374 : i32
      %add3A_376 = arith.addi %mul3A_2, %mul3A_375 : i32
      %multiple_of3A_377 = tpu.assume_multiple %add3A_376, 8 : i32
      %dma_start3A_378 = arith.constant 0 : i32
      %dma_start3A_379 = arith.constant 0 : i32
      %dma_start3A_380 = tpu.memref_slice %arg6[%add3A_369, %dma_start3A_378, %dma_start3A_379] : memref<10x80x128xf32, #tpu.memory_space<vmem>> -> memref<1x80x128xf32, #tpu.memory_space<vmem>>
      %dma_start3A_381 = tpu.memref_squeeze %dma_start3A_380 : memref<1x80x128xf32, #tpu.memory_space<vmem>> -> memref<80x128xf32, #tpu.memory_space<vmem>>
      %dma_start3A_382 = arith.constant 0 : i32
      %dma_start3A_383 = tpu.memref_slice %arg4[%multiple_of3A_377, %dma_start3A_382] : memref<320000x128xf32, #tpu.memory_space<hbm>> -> memref<80x128xf32, #tpu.memory_space<hbm>>
      %dma_start3A_384 = arith.constant 0 : i32
      %dma_start3A_385 = tpu.memref_slice %arg4[%multiple_of3A_377, %dma_start3A_384] : memref<320000x128xf32, #tpu.memory_space<hbm>> -> memref<80x128xf32, #tpu.memory_space<hbm>>
      %dma_start3A_386 = arith.constant 0 : i32
      %dma_start3A_387 = arith.constant 0 : i32
      %dma_start3A_388 = tpu.memref_slice %arg6[%add3A_369, %dma_start3A_386, %dma_start3A_387] : memref<10x80x128xf32, #tpu.memory_space<vmem>> -> memref<1x80x128xf32, #tpu.memory_space<vmem>>
      %dma_start3A_389 = tpu.memref_squeeze %dma_start3A_388 : memref<1x80x128xf32, #tpu.memory_space<vmem>> -> memref<80x128xf32, #tpu.memory_space<vmem>>
      tpu.enqueue_dma source(%dma_start3A_389 : memref<80x128xf32, #tpu.memory_space<vmem>>) target(%dma_start3A_385 : memref<80x128xf32, #tpu.memory_space<hbm>>) target_semaphore(%arg8 : memref<!tpu.dma_semaphore, #tpu.memory_space<semaphore_mem>>)
      %add3A_390 = arith.constant 4 : i32
      %add3A_391 = arith.addi %mul3A_180, %add3A_390 : i32
      %mul3A_392 = arith.constant 5 : i32
      %mul3A_393 = arith.muli %add3A_169, %mul3A_392 : i32
      %add3A_394 = arith.constant 4 : i32
      %add3A_395 = arith.addi %mul3A_393, %add3A_394 : i32
      %mul3A_396 = arith.constant 80 : i32
      %mul3A_397 = arith.muli %add3A_395, %mul3A_396 : i32
      %add3A_398 = arith.addi %mul3A_2, %mul3A_397 : i32
      %multiple_of3A_399 = tpu.assume_multiple %add3A_398, 8 : i32
      %dma_start3A_400 = arith.constant 0 : i32
      %dma_start3A_401 = arith.constant 0 : i32
      %dma_start3A_402 = tpu.memref_slice %arg6[%add3A_391, %dma_start3A_400, %dma_start3A_401] : memref<10x80x128xf32, #tpu.memory_space<vmem>> -> memref<1x80x128xf32, #tpu.memory_space<vmem>>
      %dma_start3A_403 = tpu.memref_squeeze %dma_start3A_402 : memref<1x80x128xf32, #tpu.memory_space<vmem>> -> memref<80x128xf32, #tpu.memory_space<vmem>>
      %dma_start3A_404 = arith.constant 0 : i32
      %dma_start3A_405 = tpu.memref_slice %arg4[%multiple_of3A_399, %dma_start3A_404] : memref<320000x128xf32, #tpu.memory_space<hbm>> -> memref<80x128xf32, #tpu.memory_space<hbm>>
      %dma_start3A_406 = arith.constant 0 : i32
      %dma_start3A_407 = tpu.memref_slice %arg4[%multiple_of3A_399, %dma_start3A_406] : memref<320000x128xf32, #tpu.memory_space<hbm>> -> memref<80x128xf32, #tpu.memory_space<hbm>>
      %dma_start3A_408 = arith.constant 0 : i32
      %dma_start3A_409 = arith.constant 0 : i32
      %dma_start3A_410 = tpu.memref_slice %arg6[%add3A_391, %dma_start3A_408, %dma_start3A_409] : memref<10x80x128xf32, #tpu.memory_space<vmem>> -> memref<1x80x128xf32, #tpu.memory_space<vmem>>
      %dma_start3A_411 = tpu.memref_squeeze %dma_start3A_410 : memref<1x80x128xf32, #tpu.memory_space<vmem>> -> memref<80x128xf32, #tpu.memory_space<vmem>>
      tpu.enqueue_dma source(%dma_start3A_411 : memref<80x128xf32, #tpu.memory_space<vmem>>) target(%dma_start3A_407 : memref<80x128xf32, #tpu.memory_space<hbm>>) target_semaphore(%arg8 : memref<!tpu.dma_semaphore, #tpu.memory_space<semaphore_mem>>)
    }
    %scan3A_6 = arith.constant 25 : i32
    %add3A_7 = arith.constant 0 : i32
    %add3A_8 = arith.addi %mul3A_2, %add3A_7 : i32
    %multiple_of3A = tpu.assume_multiple %add3A_8, 8 : i32
    %dma_wait3A = arith.constant 0 : i32
    %dma_wait3A_9 = arith.constant 0 : i32
    %dma_wait3A_10 = arith.constant 0 : i32
    %dma_wait3A_11 = tpu.memref_slice %arg6[%dma_wait3A, %dma_wait3A_9, %dma_wait3A_10] : memref<10x80x128xf32, #tpu.memory_space<vmem>> -> memref<1x80x128xf32, #tpu.memory_space<vmem>>
    %dma_wait3A_12 = tpu.memref_squeeze %dma_wait3A_11 : memref<1x80x128xf32, #tpu.memory_space<vmem>> -> memref<80x128xf32, #tpu.memory_space<vmem>>
    %dma_wait3A_13 = arith.constant 0 : i32
    %dma_wait3A_14 = tpu.memref_slice %arg4[%multiple_of3A, %dma_wait3A_13] : memref<320000x128xf32, #tpu.memory_space<hbm>> -> memref<80x128xf32, #tpu.memory_space<hbm>>
    %dma_wait3A_15 = arith.constant 0 : i32
    %dma_wait3A_16 = tpu.memref_slice %arg4[%multiple_of3A, %dma_wait3A_15] : memref<320000x128xf32, #tpu.memory_space<hbm>> -> memref<80x128xf32, #tpu.memory_space<hbm>>
    %dma_wait3A_17 = arith.constant 0 : i32
    %dma_wait3A_18 = arith.constant 0 : i32
    %dma_wait3A_19 = tpu.memref_slice %arg6[%dma_wait3A, %dma_wait3A_17, %dma_wait3A_18] : memref<10x80x128xf32, #tpu.memory_space<vmem>> -> memref<1x80x128xf32, #tpu.memory_space<vmem>>
    %dma_wait3A_20 = tpu.memref_squeeze %dma_wait3A_19 : memref<1x80x128xf32, #tpu.memory_space<vmem>> -> memref<80x128xf32, #tpu.memory_space<vmem>>
    tpu.wait_dma2 semaphore(%arg8 : memref<!tpu.dma_semaphore, #tpu.memory_space<semaphore_mem>>) src(%dma_wait3A_20 : memref<80x128xf32, #tpu.memory_space<vmem>>) dst(%dma_wait3A_16 : memref<80x128xf32, #tpu.memory_space<hbm>>)
    %add3A_21 = arith.constant 0 : i32
    %add3A_22 = arith.addi %mul3A_2, %add3A_21 : i32
    %multiple_of3A_23 = tpu.assume_multiple %add3A_22, 8 : i32
    %dma_wait3A_24 = arith.constant 0 : i32
    %dma_wait3A_25 = arith.constant 0 : i32
    %dma_wait3A_26 = arith.constant 0 : i32
    %dma_wait3A_27 = tpu.memref_slice %arg6[%dma_wait3A_24, %dma_wait3A_25, %dma_wait3A_26] : memref<10x80x128xf32, #tpu.memory_space<vmem>> -> memref<1x80x128xf32, #tpu.memory_space<vmem>>
    %dma_wait3A_28 = tpu.memref_squeeze %dma_wait3A_27 : memref<1x80x128xf32, #tpu.memory_space<vmem>> -> memref<80x128xf32, #tpu.memory_space<vmem>>
    %dma_wait3A_29 = arith.constant 0 : i32
    %dma_wait3A_30 = tpu.memref_slice %arg4[%multiple_of3A_23, %dma_wait3A_29] : memref<320000x128xf32, #tpu.memory_space<hbm>> -> memref<80x128xf32, #tpu.memory_space<hbm>>
    %dma_wait3A_31 = arith.constant 0 : i32
    %dma_wait3A_32 = tpu.memref_slice %arg4[%multiple_of3A_23, %dma_wait3A_31] : memref<320000x128xf32, #tpu.memory_space<hbm>> -> memref<80x128xf32, #tpu.memory_space<hbm>>
    %dma_wait3A_33 = arith.constant 0 : i32
    %dma_wait3A_34 = arith.constant 0 : i32
    %dma_wait3A_35 = tpu.memref_slice %arg6[%dma_wait3A_24, %dma_wait3A_33, %dma_wait3A_34] : memref<10x80x128xf32, #tpu.memory_space<vmem>> -> memref<1x80x128xf32, #tpu.memory_space<vmem>>
    %dma_wait3A_36 = tpu.memref_squeeze %dma_wait3A_35 : memref<1x80x128xf32, #tpu.memory_space<vmem>> -> memref<80x128xf32, #tpu.memory_space<vmem>>
    tpu.wait_dma2 semaphore(%arg8 : memref<!tpu.dma_semaphore, #tpu.memory_space<semaphore_mem>>) src(%dma_wait3A_36 : memref<80x128xf32, #tpu.memory_space<vmem>>) dst(%dma_wait3A_32 : memref<80x128xf32, #tpu.memory_space<hbm>>)
    %add3A_37 = arith.constant 0 : i32
    %add3A_38 = arith.addi %mul3A_2, %add3A_37 : i32
    %multiple_of3A_39 = tpu.assume_multiple %add3A_38, 8 : i32
    %dma_wait3A_40 = arith.constant 0 : i32
    %dma_wait3A_41 = arith.constant 0 : i32
    %dma_wait3A_42 = arith.constant 0 : i32
    %dma_wait3A_43 = tpu.memref_slice %arg6[%dma_wait3A_40, %dma_wait3A_41, %dma_wait3A_42] : memref<10x80x128xf32, #tpu.memory_space<vmem>> -> memref<1x80x128xf32, #tpu.memory_space<vmem>>
    %dma_wait3A_44 = tpu.memref_squeeze %dma_wait3A_43 : memref<1x80x128xf32, #tpu.memory_space<vmem>> -> memref<80x128xf32, #tpu.memory_space<vmem>>
    %dma_wait3A_45 = arith.constant 0 : i32
    %dma_wait3A_46 = tpu.memref_slice %arg4[%multiple_of3A_39, %dma_wait3A_45] : memref<320000x128xf32, #tpu.memory_space<hbm>> -> memref<80x128xf32, #tpu.memory_space<hbm>>
    %dma_wait3A_47 = arith.constant 0 : i32
    %dma_wait3A_48 = tpu.memref_slice %arg4[%multiple_of3A_39, %dma_wait3A_47] : memref<320000x128xf32, #tpu.memory_space<hbm>> -> memref<80x128xf32, #tpu.memory_space<hbm>>
    %dma_wait3A_49 = arith.constant 0 : i32
    %dma_wait3A_50 = arith.constant 0 : i32
    %dma_wait3A_51 = tpu.memref_slice %arg6[%dma_wait3A_40, %dma_wait3A_49, %dma_wait3A_50] : memref<10x80x128xf32, #tpu.memory_space<vmem>> -> memref<1x80x128xf32, #tpu.memory_space<vmem>>
    %dma_wait3A_52 = tpu.memref_squeeze %dma_wait3A_51 : memref<1x80x128xf32, #tpu.memory_space<vmem>> -> memref<80x128xf32, #tpu.memory_space<vmem>>
    tpu.wait_dma2 semaphore(%arg8 : memref<!tpu.dma_semaphore, #tpu.memory_space<semaphore_mem>>) src(%dma_wait3A_52 : memref<80x128xf32, #tpu.memory_space<vmem>>) dst(%dma_wait3A_48 : memref<80x128xf32, #tpu.memory_space<hbm>>)
    %add3A_53 = arith.constant 0 : i32
    %add3A_54 = arith.addi %mul3A_2, %add3A_53 : i32
    %multiple_of3A_55 = tpu.assume_multiple %add3A_54, 8 : i32
    %dma_wait3A_56 = arith.constant 0 : i32
    %dma_wait3A_57 = arith.constant 0 : i32
    %dma_wait3A_58 = arith.constant 0 : i32
    %dma_wait3A_59 = tpu.memref_slice %arg6[%dma_wait3A_56, %dma_wait3A_57, %dma_wait3A_58] : memref<10x80x128xf32, #tpu.memory_space<vmem>> -> memref<1x80x128xf32, #tpu.memory_space<vmem>>
    %dma_wait3A_60 = tpu.memref_squeeze %dma_wait3A_59 : memref<1x80x128xf32, #tpu.memory_space<vmem>> -> memref<80x128xf32, #tpu.memory_space<vmem>>
    %dma_wait3A_61 = arith.constant 0 : i32
    %dma_wait3A_62 = tpu.memref_slice %arg4[%multiple_of3A_55, %dma_wait3A_61] : memref<320000x128xf32, #tpu.memory_space<hbm>> -> memref<80x128xf32, #tpu.memory_space<hbm>>
    %dma_wait3A_63 = arith.constant 0 : i32
    %dma_wait3A_64 = tpu.memref_slice %arg4[%multiple_of3A_55, %dma_wait3A_63] : memref<320000x128xf32, #tpu.memory_space<hbm>> -> memref<80x128xf32, #tpu.memory_space<hbm>>
    %dma_wait3A_65 = arith.constant 0 : i32
    %dma_wait3A_66 = arith.constant 0 : i32
    %dma_wait3A_67 = tpu.memref_slice %arg6[%dma_wait3A_56, %dma_wait3A_65, %dma_wait3A_66] : memref<10x80x128xf32, #tpu.memory_space<vmem>> -> memref<1x80x128xf32, #tpu.memory_space<vmem>>
    %dma_wait3A_68 = tpu.memref_squeeze %dma_wait3A_67 : memref<1x80x128xf32, #tpu.memory_space<vmem>> -> memref<80x128xf32, #tpu.memory_space<vmem>>
    tpu.wait_dma2 semaphore(%arg8 : memref<!tpu.dma_semaphore, #tpu.memory_space<semaphore_mem>>) src(%dma_wait3A_68 : memref<80x128xf32, #tpu.memory_space<vmem>>) dst(%dma_wait3A_64 : memref<80x128xf32, #tpu.memory_space<hbm>>)
    %add3A_69 = arith.constant 0 : i32
    %add3A_70 = arith.addi %mul3A_2, %add3A_69 : i32
    %multiple_of3A_71 = tpu.assume_multiple %add3A_70, 8 : i32
    %dma_wait3A_72 = arith.constant 0 : i32
    %dma_wait3A_73 = arith.constant 0 : i32
    %dma_wait3A_74 = arith.constant 0 : i32
    %dma_wait3A_75 = tpu.memref_slice %arg6[%dma_wait3A_72, %dma_wait3A_73, %dma_wait3A_74] : memref<10x80x128xf32, #tpu.memory_space<vmem>> -> memref<1x80x128xf32, #tpu.memory_space<vmem>>
    %dma_wait3A_76 = tpu.memref_squeeze %dma_wait3A_75 : memref<1x80x128xf32, #tpu.memory_space<vmem>> -> memref<80x128xf32, #tpu.memory_space<vmem>>
    %dma_wait3A_77 = arith.constant 0 : i32
    %dma_wait3A_78 = tpu.memref_slice %arg4[%multiple_of3A_71, %dma_wait3A_77] : memref<320000x128xf32, #tpu.memory_space<hbm>> -> memref<80x128xf32, #tpu.memory_space<hbm>>
    %dma_wait3A_79 = arith.constant 0 : i32
    %dma_wait3A_80 = tpu.memref_slice %arg4[%multiple_of3A_71, %dma_wait3A_79] : memref<320000x128xf32, #tpu.memory_space<hbm>> -> memref<80x128xf32, #tpu.memory_space<hbm>>
    %dma_wait3A_81 = arith.constant 0 : i32
    %dma_wait3A_82 = arith.constant 0 : i32
    %dma_wait3A_83 = tpu.memref_slice %arg6[%dma_wait3A_72, %dma_wait3A_81, %dma_wait3A_82] : memref<10x80x128xf32, #tpu.memory_space<vmem>> -> memref<1x80x128xf32, #tpu.memory_space<vmem>>
    %dma_wait3A_84 = tpu.memref_squeeze %dma_wait3A_83 : memref<1x80x128xf32, #tpu.memory_space<vmem>> -> memref<80x128xf32, #tpu.memory_space<vmem>>
    tpu.wait_dma2 semaphore(%arg8 : memref<!tpu.dma_semaphore, #tpu.memory_space<semaphore_mem>>) src(%dma_wait3A_84 : memref<80x128xf32, #tpu.memory_space<vmem>>) dst(%dma_wait3A_80 : memref<80x128xf32, #tpu.memory_space<hbm>>)
    %add3A_85 = arith.constant 0 : i32
    %add3A_86 = arith.addi %mul3A_2, %add3A_85 : i32
    %multiple_of3A_87 = tpu.assume_multiple %add3A_86, 8 : i32
    %dma_wait3A_88 = arith.constant 0 : i32
    %dma_wait3A_89 = arith.constant 0 : i32
    %dma_wait3A_90 = arith.constant 0 : i32
    %dma_wait3A_91 = tpu.memref_slice %arg6[%dma_wait3A_88, %dma_wait3A_89, %dma_wait3A_90] : memref<10x80x128xf32, #tpu.memory_space<vmem>> -> memref<1x80x128xf32, #tpu.memory_space<vmem>>
    %dma_wait3A_92 = tpu.memref_squeeze %dma_wait3A_91 : memref<1x80x128xf32, #tpu.memory_space<vmem>> -> memref<80x128xf32, #tpu.memory_space<vmem>>
    %dma_wait3A_93 = arith.constant 0 : i32
    %dma_wait3A_94 = tpu.memref_slice %arg4[%multiple_of3A_87, %dma_wait3A_93] : memref<320000x128xf32, #tpu.memory_space<hbm>> -> memref<80x128xf32, #tpu.memory_space<hbm>>
    %dma_wait3A_95 = arith.constant 0 : i32
    %dma_wait3A_96 = tpu.memref_slice %arg4[%multiple_of3A_87, %dma_wait3A_95] : memref<320000x128xf32, #tpu.memory_space<hbm>> -> memref<80x128xf32, #tpu.memory_space<hbm>>
    %dma_wait3A_97 = arith.constant 0 : i32
    %dma_wait3A_98 = arith.constant 0 : i32
    %dma_wait3A_99 = tpu.memref_slice %arg6[%dma_wait3A_88, %dma_wait3A_97, %dma_wait3A_98] : memref<10x80x128xf32, #tpu.memory_space<vmem>> -> memref<1x80x128xf32, #tpu.memory_space<vmem>>
    %dma_wait3A_100 = tpu.memref_squeeze %dma_wait3A_99 : memref<1x80x128xf32, #tpu.memory_space<vmem>> -> memref<80x128xf32, #tpu.memory_space<vmem>>
    tpu.wait_dma2 semaphore(%arg8 : memref<!tpu.dma_semaphore, #tpu.memory_space<semaphore_mem>>) src(%dma_wait3A_100 : memref<80x128xf32, #tpu.memory_space<vmem>>) dst(%dma_wait3A_96 : memref<80x128xf32, #tpu.memory_space<hbm>>)
    %add3A_101 = arith.constant 0 : i32
    %add3A_102 = arith.addi %mul3A_2, %add3A_101 : i32
    %multiple_of3A_103 = tpu.assume_multiple %add3A_102, 8 : i32
    %dma_wait3A_104 = arith.constant 0 : i32
    %dma_wait3A_105 = arith.constant 0 : i32
    %dma_wait3A_106 = arith.constant 0 : i32
    %dma_wait3A_107 = tpu.memref_slice %arg6[%dma_wait3A_104, %dma_wait3A_105, %dma_wait3A_106] : memref<10x80x128xf32, #tpu.memory_space<vmem>> -> memref<1x80x128xf32, #tpu.memory_space<vmem>>
    %dma_wait3A_108 = tpu.memref_squeeze %dma_wait3A_107 : memref<1x80x128xf32, #tpu.memory_space<vmem>> -> memref<80x128xf32, #tpu.memory_space<vmem>>
    %dma_wait3A_109 = arith.constant 0 : i32
    %dma_wait3A_110 = tpu.memref_slice %arg4[%multiple_of3A_103, %dma_wait3A_109] : memref<320000x128xf32, #tpu.memory_space<hbm>> -> memref<80x128xf32, #tpu.memory_space<hbm>>
    %dma_wait3A_111 = arith.constant 0 : i32
    %dma_wait3A_112 = tpu.memref_slice %arg4[%multiple_of3A_103, %dma_wait3A_111] : memref<320000x128xf32, #tpu.memory_space<hbm>> -> memref<80x128xf32, #tpu.memory_space<hbm>>
    %dma_wait3A_113 = arith.constant 0 : i32
    %dma_wait3A_114 = arith.constant 0 : i32
    %dma_wait3A_115 = tpu.memref_slice %arg6[%dma_wait3A_104, %dma_wait3A_113, %dma_wait3A_114] : memref<10x80x128xf32, #tpu.memory_space<vmem>> -> memref<1x80x128xf32, #tpu.memory_space<vmem>>
    %dma_wait3A_116 = tpu.memref_squeeze %dma_wait3A_115 : memref<1x80x128xf32, #tpu.memory_space<vmem>> -> memref<80x128xf32, #tpu.memory_space<vmem>>
    tpu.wait_dma2 semaphore(%arg8 : memref<!tpu.dma_semaphore, #tpu.memory_space<semaphore_mem>>) src(%dma_wait3A_116 : memref<80x128xf32, #tpu.memory_space<vmem>>) dst(%dma_wait3A_112 : memref<80x128xf32, #tpu.memory_space<hbm>>)
    %add3A_117 = arith.constant 0 : i32
    %add3A_118 = arith.addi %mul3A_2, %add3A_117 : i32
    %multiple_of3A_119 = tpu.assume_multiple %add3A_118, 8 : i32
    %dma_wait3A_120 = arith.constant 0 : i32
    %dma_wait3A_121 = arith.constant 0 : i32
    %dma_wait3A_122 = arith.constant 0 : i32
    %dma_wait3A_123 = tpu.memref_slice %arg6[%dma_wait3A_120, %dma_wait3A_121, %dma_wait3A_122] : memref<10x80x128xf32, #tpu.memory_space<vmem>> -> memref<1x80x128xf32, #tpu.memory_space<vmem>>
    %dma_wait3A_124 = tpu.memref_squeeze %dma_wait3A_123 : memref<1x80x128xf32, #tpu.memory_space<vmem>> -> memref<80x128xf32, #tpu.memory_space<vmem>>
    %dma_wait3A_125 = arith.constant 0 : i32
    %dma_wait3A_126 = tpu.memref_slice %arg4[%multiple_of3A_119, %dma_wait3A_125] : memref<320000x128xf32, #tpu.memory_space<hbm>> -> memref<80x128xf32, #tpu.memory_space<hbm>>
    %dma_wait3A_127 = arith.constant 0 : i32
    %dma_wait3A_128 = tpu.memref_slice %arg4[%multiple_of3A_119, %dma_wait3A_127] : memref<320000x128xf32, #tpu.memory_space<hbm>> -> memref<80x128xf32, #tpu.memory_space<hbm>>
    %dma_wait3A_129 = arith.constant 0 : i32
    %dma_wait3A_130 = arith.constant 0 : i32
    %dma_wait3A_131 = tpu.memref_slice %arg6[%dma_wait3A_120, %dma_wait3A_129, %dma_wait3A_130] : memref<10x80x128xf32, #tpu.memory_space<vmem>> -> memref<1x80x128xf32, #tpu.memory_space<vmem>>
    %dma_wait3A_132 = tpu.memref_squeeze %dma_wait3A_131 : memref<1x80x128xf32, #tpu.memory_space<vmem>> -> memref<80x128xf32, #tpu.memory_space<vmem>>
    tpu.wait_dma2 semaphore(%arg8 : memref<!tpu.dma_semaphore, #tpu.memory_space<semaphore_mem>>) src(%dma_wait3A_132 : memref<80x128xf32, #tpu.memory_space<vmem>>) dst(%dma_wait3A_128 : memref<80x128xf32, #tpu.memory_space<hbm>>)
    %add3A_133 = arith.constant 0 : i32
    %add3A_134 = arith.addi %mul3A_2, %add3A_133 : i32
    %multiple_of3A_135 = tpu.assume_multiple %add3A_134, 8 : i32
    %dma_wait3A_136 = arith.constant 0 : i32
    %dma_wait3A_137 = arith.constant 0 : i32
    %dma_wait3A_138 = arith.constant 0 : i32
    %dma_wait3A_139 = tpu.memref_slice %arg6[%dma_wait3A_136, %dma_wait3A_137, %dma_wait3A_138] : memref<10x80x128xf32, #tpu.memory_space<vmem>> -> memref<1x80x128xf32, #tpu.memory_space<vmem>>
    %dma_wait3A_140 = tpu.memref_squeeze %dma_wait3A_139 : memref<1x80x128xf32, #tpu.memory_space<vmem>> -> memref<80x128xf32, #tpu.memory_space<vmem>>
    %dma_wait3A_141 = arith.constant 0 : i32
    %dma_wait3A_142 = tpu.memref_slice %arg4[%multiple_of3A_135, %dma_wait3A_141] : memref<320000x128xf32, #tpu.memory_space<hbm>> -> memref<80x128xf32, #tpu.memory_space<hbm>>
    %dma_wait3A_143 = arith.constant 0 : i32
    %dma_wait3A_144 = tpu.memref_slice %arg4[%multiple_of3A_135, %dma_wait3A_143] : memref<320000x128xf32, #tpu.memory_space<hbm>> -> memref<80x128xf32, #tpu.memory_space<hbm>>
    %dma_wait3A_145 = arith.constant 0 : i32
    %dma_wait3A_146 = arith.constant 0 : i32
    %dma_wait3A_147 = tpu.memref_slice %arg6[%dma_wait3A_136, %dma_wait3A_145, %dma_wait3A_146] : memref<10x80x128xf32, #tpu.memory_space<vmem>> -> memref<1x80x128xf32, #tpu.memory_space<vmem>>
    %dma_wait3A_148 = tpu.memref_squeeze %dma_wait3A_147 : memref<1x80x128xf32, #tpu.memory_space<vmem>> -> memref<80x128xf32, #tpu.memory_space<vmem>>
    tpu.wait_dma2 semaphore(%arg8 : memref<!tpu.dma_semaphore, #tpu.memory_space<semaphore_mem>>) src(%dma_wait3A_148 : memref<80x128xf32, #tpu.memory_space<vmem>>) dst(%dma_wait3A_144 : memref<80x128xf32, #tpu.memory_space<hbm>>)
    %add3A_149 = arith.constant 0 : i32
    %add3A_150 = arith.addi %mul3A_2, %add3A_149 : i32
    %multiple_of3A_151 = tpu.assume_multiple %add3A_150, 8 : i32
    %dma_wait3A_152 = arith.constant 0 : i32
    %dma_wait3A_153 = arith.constant 0 : i32
    %dma_wait3A_154 = arith.constant 0 : i32
    %dma_wait3A_155 = tpu.memref_slice %arg6[%dma_wait3A_152, %dma_wait3A_153, %dma_wait3A_154] : memref<10x80x128xf32, #tpu.memory_space<vmem>> -> memref<1x80x128xf32, #tpu.memory_space<vmem>>
    %dma_wait3A_156 = tpu.memref_squeeze %dma_wait3A_155 : memref<1x80x128xf32, #tpu.memory_space<vmem>> -> memref<80x128xf32, #tpu.memory_space<vmem>>
    %dma_wait3A_157 = arith.constant 0 : i32
    %dma_wait3A_158 = tpu.memref_slice %arg4[%multiple_of3A_151, %dma_wait3A_157] : memref<320000x128xf32, #tpu.memory_space<hbm>> -> memref<80x128xf32, #tpu.memory_space<hbm>>
    %dma_wait3A_159 = arith.constant 0 : i32
    %dma_wait3A_160 = tpu.memref_slice %arg4[%multiple_of3A_151, %dma_wait3A_159] : memref<320000x128xf32, #tpu.memory_space<hbm>> -> memref<80x128xf32, #tpu.memory_space<hbm>>
    %dma_wait3A_161 = arith.constant 0 : i32
    %dma_wait3A_162 = arith.constant 0 : i32
    %dma_wait3A_163 = tpu.memref_slice %arg6[%dma_wait3A_152, %dma_wait3A_161, %dma_wait3A_162] : memref<10x80x128xf32, #tpu.memory_space<vmem>> -> memref<1x80x128xf32, #tpu.memory_space<vmem>>
    %dma_wait3A_164 = tpu.memref_squeeze %dma_wait3A_163 : memref<1x80x128xf32, #tpu.memory_space<vmem>> -> memref<80x128xf32, #tpu.memory_space<vmem>>
    tpu.wait_dma2 semaphore(%arg8 : memref<!tpu.dma_semaphore, #tpu.memory_space<semaphore_mem>>) src(%dma_wait3A_164 : memref<80x128xf32, #tpu.memory_space<vmem>>) dst(%dma_wait3A_160 : memref<80x128xf32, #tpu.memory_space<hbm>>)
    return
  }
}

#map = affine_map<(d0, d1) -> (0, 0)>
#map1 = affine_map<(d0, d1) -> (0, 0, 0, 0)>
#map2 = affine_map<(d0, d1) -> (0, 0, 0)>
module attributes {stable_mosaic.version = 14 : i64} {
  func.func @_phase_a_body(%arg0: i32, %arg1: i32, %arg2: memref<320000x128xf32, #tpu.memory_space<hbm>>, %arg3: memref<32x25x5x80xi32, #tpu.memory_space<hbm>>, %arg4: memref<10240x128xf32, #tpu.memory_space<hbm>>, %arg5: memref<80x128xf32, #tpu.memory_space<hbm>>, %arg6: memref<2x10240x128xf32, #tpu.memory_space<hbm>>, %arg7: memref<2x10240x128xf32, #tpu.memory_space<hbm>>, %arg8: memref<5x80xi32, #tpu.memory_space<vmem>>, %arg9: memref<2x80x128xf32, #tpu.memory_space<vmem>>, %arg10: memref<!tpu.dma_semaphore, #tpu.memory_space<semaphore_mem>>, %arg11: memref<!tpu.dma_semaphore, #tpu.memory_space<semaphore_mem>>, %arg12: memref<10240x128xf32, #tpu.memory_space<vmem_shared>>) attributes {dimension_semantics = [#tpu.dimension_semantics<core_parallel>, #tpu.dimension_semantics<subcore_parallel>], iteration_bounds = array<i64: 2, 16>, scalar_prefetch = 0 : i64, scratch_operands = 5 : i64, tpu.core_type = #tpu.core_type<sc_vector_subcore>, window_params = [{transform_indices = #map}, {transform_indices = #map1}, {transform_indices = #map}, {transform_indices = #map}, {transform_indices = #map2}, {transform_indices = #map2}]} {
    %mul3A = arith.constant 2 : i32
    %mul3A_0 = arith.muli %arg1, %mul3A : i32
    %add3A = arith.addi %mul3A_0, %arg0 : i32
    %eq3A = arith.constant 0 : i32
    %eq3A_1 = arith.cmpi eq, %arg1, %eq3A : i32
    %convert_element_type3A = arith.extui %eq3A_1 : i1 to i32
    %cond3A = arith.constant 0 : i32
    %cond3A_2 = arith.cmpi ne, %convert_element_type3A, %cond3A : i32
    scf.if %cond3A_2 {
      "tpu.region"() ({
        %run_scoped3A_56 = tpu.sem_alloc : memref<!tpu.dma_semaphore, #tpu.memory_space<semaphore_mem>>
        tpu.enqueue_dma source(%arg4 : memref<10240x128xf32, #tpu.memory_space<hbm>>) target(%arg12 : memref<10240x128xf32, #tpu.memory_space<vmem_shared>>) target_semaphore(%run_scoped3A_56 : memref<!tpu.dma_semaphore, #tpu.memory_space<semaphore_mem>>)
        tpu.wait_dma2 semaphore(%run_scoped3A_56 : memref<!tpu.dma_semaphore, #tpu.memory_space<semaphore_mem>>) src(%arg4 : memref<10240x128xf32, #tpu.memory_space<hbm>>) dst(%arg12 : memref<10240x128xf32, #tpu.memory_space<vmem_shared>>)
        tpu.yield
      }) : () -> ()
    } else {
    }
    %barrier3A = arith.constant 0 : index
    tpu.barrier barrier_id(%barrier3A)
    %mul3A_3 = arith.constant 10000 : i32
    %mul3A_4 = arith.muli %add3A, %mul3A_3 : i32
    %add3A_5 = arith.constant 0 : i32
    %add3A_6 = arith.addi %mul3A_4, %add3A_5 : i32
    %multiple_of3A = tpu.assume_multiple %add3A_6, 8 : i32
    %dma_start3A = arith.constant 0 : i32
    %dma_start3A_7 = arith.constant 0 : i32
    %dma_start3A_8 = arith.constant 0 : i32
    %dma_start3A_9 = tpu.memref_slice %arg9[%dma_start3A, %dma_start3A_7, %dma_start3A_8] : memref<2x80x128xf32, #tpu.memory_space<vmem>> -> memref<1x80x128xf32, #tpu.memory_space<vmem>>
    %dma_start3A_10 = tpu.memref_squeeze %dma_start3A_9 : memref<1x80x128xf32, #tpu.memory_space<vmem>> -> memref<80x128xf32, #tpu.memory_space<vmem>>
    %dma_start3A_11 = arith.constant 0 : i32
    %dma_start3A_12 = tpu.memref_slice %arg2[%multiple_of3A, %dma_start3A_11] : memref<320000x128xf32, #tpu.memory_space<hbm>> -> memref<80x128xf32, #tpu.memory_space<hbm>>
    %dma_start3A_13 = arith.constant 0 : i32
    %dma_start3A_14 = arith.constant 0 : i32
    %dma_start3A_15 = tpu.memref_slice %arg9[%dma_start3A, %dma_start3A_13, %dma_start3A_14] : memref<2x80x128xf32, #tpu.memory_space<vmem>> -> memref<1x80x128xf32, #tpu.memory_space<vmem>>
    %dma_start3A_16 = tpu.memref_squeeze %dma_start3A_15 : memref<1x80x128xf32, #tpu.memory_space<vmem>> -> memref<80x128xf32, #tpu.memory_space<vmem>>
    %dma_start3A_17 = arith.constant 0 : i32
    %dma_start3A_18 = tpu.memref_slice %arg2[%multiple_of3A, %dma_start3A_17] : memref<320000x128xf32, #tpu.memory_space<hbm>> -> memref<80x128xf32, #tpu.memory_space<hbm>>
    tpu.enqueue_dma source(%dma_start3A_18 : memref<80x128xf32, #tpu.memory_space<hbm>>) target(%dma_start3A_16 : memref<80x128xf32, #tpu.memory_space<vmem>>) target_semaphore(%arg10 : memref<!tpu.dma_semaphore, #tpu.memory_space<semaphore_mem>>)
    %scan3A = arith.constant 0 : i32
    %scan3A_19 = arith.constant 25 : i32
    %scan3A_20 = arith.addi %scan3A, %scan3A_19 : i32
    %scan3A_21 = arith.constant 1 : i32
    scf.for %scan3A_56 = %scan3A to %scan3A_20 step %scan3A_21  : i32 {
      %mul3A_57 = arith.constant 1 : i32
      %mul3A_58 = arith.muli %scan3A_56, %mul3A_57 : i32
      %add3A_59 = arith.constant 0 : i32
      %add3A_60 = arith.addi %add3A_59, %mul3A_58 : i32
      "tpu.region"() ({
        %run_scoped3A_358 = tpu.sem_alloc : memref<!tpu.dma_semaphore, #tpu.memory_space<semaphore_mem>>
        %dma_start3A_359 = arith.constant 0 : i32
        %dma_start3A_360 = arith.constant 0 : i32
        %dma_start3A_361 = tpu.memref_slice %arg3[%add3A, %add3A_60, %dma_start3A_359, %dma_start3A_360] : memref<32x25x5x80xi32, #tpu.memory_space<hbm>> -> memref<1x1x5x80xi32, #tpu.memory_space<hbm>>
        %dma_start3A_362 = tpu.memref_squeeze %dma_start3A_361 : memref<1x1x5x80xi32, #tpu.memory_space<hbm>> -> memref<5x80xi32, #tpu.memory_space<hbm>>
        %dma_start3A_363 = arith.constant 0 : i32
        %dma_start3A_364 = arith.constant 0 : i32
        %dma_start3A_365 = tpu.memref_slice %arg3[%add3A, %add3A_60, %dma_start3A_363, %dma_start3A_364] : memref<32x25x5x80xi32, #tpu.memory_space<hbm>> -> memref<1x1x5x80xi32, #tpu.memory_space<hbm>>
        %dma_start3A_366 = tpu.memref_squeeze %dma_start3A_365 : memref<1x1x5x80xi32, #tpu.memory_space<hbm>> -> memref<5x80xi32, #tpu.memory_space<hbm>>
        tpu.enqueue_dma source(%dma_start3A_366 : memref<5x80xi32, #tpu.memory_space<hbm>>) target(%arg8 : memref<5x80xi32, #tpu.memory_space<vmem>>) target_semaphore(%run_scoped3A_358 : memref<!tpu.dma_semaphore, #tpu.memory_space<semaphore_mem>>)
        %dma_wait3A_367 = arith.constant 0 : i32
        %dma_wait3A_368 = arith.constant 0 : i32
        %dma_wait3A_369 = tpu.memref_slice %arg3[%add3A, %add3A_60, %dma_wait3A_367, %dma_wait3A_368] : memref<32x25x5x80xi32, #tpu.memory_space<hbm>> -> memref<1x1x5x80xi32, #tpu.memory_space<hbm>>
        %dma_wait3A_370 = tpu.memref_squeeze %dma_wait3A_369 : memref<1x1x5x80xi32, #tpu.memory_space<hbm>> -> memref<5x80xi32, #tpu.memory_space<hbm>>
        %dma_wait3A_371 = arith.constant 0 : i32
        %dma_wait3A_372 = arith.constant 0 : i32
        %dma_wait3A_373 = tpu.memref_slice %arg3[%add3A, %add3A_60, %dma_wait3A_371, %dma_wait3A_372] : memref<32x25x5x80xi32, #tpu.memory_space<hbm>> -> memref<1x1x5x80xi32, #tpu.memory_space<hbm>>
        %dma_wait3A_374 = tpu.memref_squeeze %dma_wait3A_373 : memref<1x1x5x80xi32, #tpu.memory_space<hbm>> -> memref<5x80xi32, #tpu.memory_space<hbm>>
        tpu.wait_dma2 semaphore(%run_scoped3A_358 : memref<!tpu.dma_semaphore, #tpu.memory_space<semaphore_mem>>) src(%dma_wait3A_374 : memref<5x80xi32, #tpu.memory_space<hbm>>) dst(%arg8 : memref<5x80xi32, #tpu.memory_space<vmem>>)
        tpu.yield
      }) : () -> ()
      %mul3A_61 = arith.constant 5 : i32
      %mul3A_62 = arith.muli %add3A_60, %mul3A_61 : i32
      %add3A_63 = arith.constant 0 : i32
      %add3A_64 = arith.addi %mul3A_62, %add3A_63 : i32
      %add3A_65 = arith.constant 0 : i32
      %add3A_66 = arith.addi %add3A_60, %add3A_65 : i32
      %jit3A = arith.constant 2 : i32
      %eq3A_67 = arith.constant 0 : i32
      %eq3A_68 = arith.cmpi eq, %jit3A, %eq3A_67 : i32
      %jit3A_69 = arith.constant 1 : i32
      %select_n3A = arith.select %eq3A_68, %jit3A_69, %jit3A : i32
      %rem3A = arith.remsi %add3A_66, %select_n3A : i32
      %ne3A = arith.constant 0 : i32
      %ne3A_70 = arith.cmpi ne, %rem3A, %ne3A : i32
      %lt3A = arith.constant 0 : i32
      %lt3A_71 = arith.cmpi slt, %rem3A, %lt3A : i32
      %lt3A_72 = arith.constant 0 : i32
      %lt3A_73 = arith.cmpi slt, %select_n3A, %lt3A_72 : i32
      %ne3A_74 = arith.xori %lt3A_71, %lt3A_73 : i1
      %and3A = arith.andi %ne3A_74, %ne3A_70 : i1
      %add3A_75 = arith.addi %rem3A, %select_n3A : i32
      %select_n3A_76 = arith.select %and3A, %add3A_75, %rem3A : i32
      %add3A_77 = arith.constant 1 : i32
      %add3A_78 = arith.addi %add3A_64, %add3A_77 : i32
      %min3A = arith.constant 124 : i32
      %min3A_79 = arith.minsi %add3A_78, %min3A : i32
      %mul3A_80 = arith.constant 80 : i32
      %mul3A_81 = arith.muli %min3A_79, %mul3A_80 : i32
      %add3A_82 = arith.addi %mul3A_4, %mul3A_81 : i32
      %multiple_of3A_83 = tpu.assume_multiple %add3A_82, 8 : i32
      %sub3A = arith.constant 1 : i32
      %sub3A_84 = arith.subi %sub3A, %select_n3A_76 : i32
      %dma_start3A_85 = arith.constant 0 : i32
      %dma_start3A_86 = arith.constant 0 : i32
      %dma_start3A_87 = tpu.memref_slice %arg9[%sub3A_84, %dma_start3A_85, %dma_start3A_86] : memref<2x80x128xf32, #tpu.memory_space<vmem>> -> memref<1x80x128xf32, #tpu.memory_space<vmem>>
      %dma_start3A_88 = tpu.memref_squeeze %dma_start3A_87 : memref<1x80x128xf32, #tpu.memory_space<vmem>> -> memref<80x128xf32, #tpu.memory_space<vmem>>
      %dma_start3A_89 = arith.constant 0 : i32
      %dma_start3A_90 = tpu.memref_slice %arg2[%multiple_of3A_83, %dma_start3A_89] : memref<320000x128xf32, #tpu.memory_space<hbm>> -> memref<80x128xf32, #tpu.memory_space<hbm>>
      %dma_start3A_91 = arith.constant 0 : i32
      %dma_start3A_92 = arith.constant 0 : i32
      %dma_start3A_93 = tpu.memref_slice %arg9[%sub3A_84, %dma_start3A_91, %dma_start3A_92] : memref<2x80x128xf32, #tpu.memory_space<vmem>> -> memref<1x80x128xf32, #tpu.memory_space<vmem>>
      %dma_start3A_94 = tpu.memref_squeeze %dma_start3A_93 : memref<1x80x128xf32, #tpu.memory_space<vmem>> -> memref<80x128xf32, #tpu.memory_space<vmem>>
      %dma_start3A_95 = arith.constant 0 : i32
      %dma_start3A_96 = tpu.memref_slice %arg2[%multiple_of3A_83, %dma_start3A_95] : memref<320000x128xf32, #tpu.memory_space<hbm>> -> memref<80x128xf32, #tpu.memory_space<hbm>>
      tpu.enqueue_dma source(%dma_start3A_96 : memref<80x128xf32, #tpu.memory_space<hbm>>) target(%dma_start3A_94 : memref<80x128xf32, #tpu.memory_space<vmem>>) target_semaphore(%arg10 : memref<!tpu.dma_semaphore, #tpu.memory_space<semaphore_mem>>)
      %mul3A_97 = arith.constant 80 : i32
      %mul3A_98 = arith.muli %add3A_64, %mul3A_97 : i32
      %add3A_99 = arith.addi %mul3A_4, %mul3A_98 : i32
      %multiple_of3A_100 = tpu.assume_multiple %add3A_99, 8 : i32
      %dma_wait3A_101 = arith.constant 0 : i32
      %dma_wait3A_102 = arith.constant 0 : i32
      %dma_wait3A_103 = tpu.memref_slice %arg9[%select_n3A_76, %dma_wait3A_101, %dma_wait3A_102] : memref<2x80x128xf32, #tpu.memory_space<vmem>> -> memref<1x80x128xf32, #tpu.memory_space<vmem>>
      %dma_wait3A_104 = tpu.memref_squeeze %dma_wait3A_103 : memref<1x80x128xf32, #tpu.memory_space<vmem>> -> memref<80x128xf32, #tpu.memory_space<vmem>>
      %dma_wait3A_105 = arith.constant 0 : i32
      %dma_wait3A_106 = tpu.memref_slice %arg2[%multiple_of3A_100, %dma_wait3A_105] : memref<320000x128xf32, #tpu.memory_space<hbm>> -> memref<80x128xf32, #tpu.memory_space<hbm>>
      %dma_wait3A_107 = arith.constant 0 : i32
      %dma_wait3A_108 = arith.constant 0 : i32
      %dma_wait3A_109 = tpu.memref_slice %arg9[%select_n3A_76, %dma_wait3A_107, %dma_wait3A_108] : memref<2x80x128xf32, #tpu.memory_space<vmem>> -> memref<1x80x128xf32, #tpu.memory_space<vmem>>
      %dma_wait3A_110 = tpu.memref_squeeze %dma_wait3A_109 : memref<1x80x128xf32, #tpu.memory_space<vmem>> -> memref<80x128xf32, #tpu.memory_space<vmem>>
      %dma_wait3A_111 = arith.constant 0 : i32
      %dma_wait3A_112 = tpu.memref_slice %arg2[%multiple_of3A_100, %dma_wait3A_111] : memref<320000x128xf32, #tpu.memory_space<hbm>> -> memref<80x128xf32, #tpu.memory_space<hbm>>
      tpu.wait_dma2 semaphore(%arg10 : memref<!tpu.dma_semaphore, #tpu.memory_space<semaphore_mem>>) src(%dma_wait3A_112 : memref<80x128xf32, #tpu.memory_space<hbm>>) dst(%dma_wait3A_110 : memref<80x128xf32, #tpu.memory_space<vmem>>)
      %run_scoped3A_113 = arith.constant 0 : i32
      "tpu.region"() ({
        %run_scoped3A_358 = tpu.sem_alloc : memref<!tpu.dma_semaphore, #tpu.memory_space<semaphore_mem>>
        %dma_start3A_359 = arith.constant 0 : i32
        %dma_start3A_360 = arith.constant 0 : i32
        %dma_start3A_361 = tpu.memref_slice %arg9[%select_n3A_76, %dma_start3A_359, %dma_start3A_360] : memref<2x80x128xf32, #tpu.memory_space<vmem>> -> memref<1x80x128xf32, #tpu.memory_space<vmem>>
        %dma_start3A_362 = tpu.memref_squeeze %dma_start3A_361 : memref<1x80x128xf32, #tpu.memory_space<vmem>> -> memref<80x128xf32, #tpu.memory_space<vmem>>
        %dma_start3A_363 = arith.constant 0 : i32
        %dma_start3A_364 = tpu.memref_slice %arg8[%run_scoped3A_113, %dma_start3A_363] : memref<5x80xi32, #tpu.memory_space<vmem>> -> memref<1x80xi32, #tpu.memory_space<vmem>>
        %dma_start3A_365 = tpu.memref_squeeze %dma_start3A_364 : memref<1x80xi32, #tpu.memory_space<vmem>> -> memref<80xi32, #tpu.memory_space<vmem>>
        %dma_start3A_366 = arith.constant 0 : i32
        %dma_start3A_367 = arith.constant 0 : i32
        %dma_start3A_368 = tpu.memref_slice %arg12[%dma_start3A_366, %dma_start3A_367] : memref<10240x128xf32, #tpu.memory_space<vmem_shared>> -> memref<10240x128xf32, #tpu.memory_space<vmem_shared>>
        tpu.enqueue_indirect_dma source(%dma_start3A_362 : memref<80x128xf32, #tpu.memory_space<vmem>>) target(%dma_start3A_368 : memref<10240x128xf32, #tpu.memory_space<vmem_shared>>) offsets(%dma_start3A_365 : memref<80xi32, #tpu.memory_space<vmem>>) semaphore(%run_scoped3A_358 : memref<!tpu.dma_semaphore, #tpu.memory_space<semaphore_mem>>) {add = true}
        %dma_wait3A_369 = arith.constant 0 : i32
        %dma_wait3A_370 = arith.constant 0 : i32
        %dma_wait3A_371 = tpu.memref_slice %arg9[%select_n3A_76, %dma_wait3A_369, %dma_wait3A_370] : memref<2x80x128xf32, #tpu.memory_space<vmem>> -> memref<1x80x128xf32, #tpu.memory_space<vmem>>
        %dma_wait3A_372 = tpu.memref_squeeze %dma_wait3A_371 : memref<1x80x128xf32, #tpu.memory_space<vmem>> -> memref<80x128xf32, #tpu.memory_space<vmem>>
        %dma_wait3A_373 = arith.constant 0 : i32
        %dma_wait3A_374 = tpu.memref_slice %arg8[%run_scoped3A_113, %dma_wait3A_373] : memref<5x80xi32, #tpu.memory_space<vmem>> -> memref<1x80xi32, #tpu.memory_space<vmem>>
        %dma_wait3A_375 = tpu.memref_squeeze %dma_wait3A_374 : memref<1x80xi32, #tpu.memory_space<vmem>> -> memref<80xi32, #tpu.memory_space<vmem>>
        %dma_wait3A_376 = arith.constant 0 : i32
        %dma_wait3A_377 = arith.constant 0 : i32
        %dma_wait3A_378 = tpu.memref_slice %arg12[%dma_wait3A_376, %dma_wait3A_377] : memref<10240x128xf32, #tpu.memory_space<vmem_shared>> -> memref<10240x128xf32, #tpu.memory_space<vmem_shared>>
        tpu.wait_indirect_dma semaphore(%run_scoped3A_358 : memref<!tpu.dma_semaphore, #tpu.memory_space<semaphore_mem>>) src(%dma_wait3A_372 : memref<80x128xf32, #tpu.memory_space<vmem>>) dst(%dma_wait3A_378 : memref<10240x128xf32, #tpu.memory_space<vmem_shared>>)
        tpu.yield
      }) : () -> ()
      %mul3A_114 = arith.constant 5 : i32
      %mul3A_115 = arith.muli %add3A_60, %mul3A_114 : i32
      %add3A_116 = arith.constant 1 : i32
      %add3A_117 = arith.addi %mul3A_115, %add3A_116 : i32
      %add3A_118 = arith.constant 1 : i32
      %add3A_119 = arith.addi %add3A_60, %add3A_118 : i32
      %jit3A_120 = arith.constant 2 : i32
      %eq3A_121 = arith.constant 0 : i32
      %eq3A_122 = arith.cmpi eq, %jit3A_120, %eq3A_121 : i32
      %jit3A_123 = arith.constant 1 : i32
      %select_n3A_124 = arith.select %eq3A_122, %jit3A_123, %jit3A_120 : i32
      %rem3A_125 = arith.remsi %add3A_119, %select_n3A_124 : i32
      %ne3A_126 = arith.constant 0 : i32
      %ne3A_127 = arith.cmpi ne, %rem3A_125, %ne3A_126 : i32
      %lt3A_128 = arith.constant 0 : i32
      %lt3A_129 = arith.cmpi slt, %rem3A_125, %lt3A_128 : i32
      %lt3A_130 = arith.constant 0 : i32
      %lt3A_131 = arith.cmpi slt, %select_n3A_124, %lt3A_130 : i32
      %ne3A_132 = arith.xori %lt3A_129, %lt3A_131 : i1
      %and3A_133 = arith.andi %ne3A_132, %ne3A_127 : i1
      %add3A_134 = arith.addi %rem3A_125, %select_n3A_124 : i32
      %select_n3A_135 = arith.select %and3A_133, %add3A_134, %rem3A_125 : i32
      %add3A_136 = arith.constant 1 : i32
      %add3A_137 = arith.addi %add3A_117, %add3A_136 : i32
      %min3A_138 = arith.constant 124 : i32
      %min3A_139 = arith.minsi %add3A_137, %min3A_138 : i32
      %mul3A_140 = arith.constant 80 : i32
      %mul3A_141 = arith.muli %min3A_139, %mul3A_140 : i32
      %add3A_142 = arith.addi %mul3A_4, %mul3A_141 : i32
      %multiple_of3A_143 = tpu.assume_multiple %add3A_142, 8 : i32
      %sub3A_144 = arith.constant 1 : i32
      %sub3A_145 = arith.subi %sub3A_144, %select_n3A_135 : i32
      %dma_start3A_146 = arith.constant 0 : i32
      %dma_start3A_147 = arith.constant 0 : i32
      %dma_start3A_148 = tpu.memref_slice %arg9[%sub3A_145, %dma_start3A_146, %dma_start3A_147] : memref<2x80x128xf32, #tpu.memory_space<vmem>> -> memref<1x80x128xf32, #tpu.memory_space<vmem>>
      %dma_start3A_149 = tpu.memref_squeeze %dma_start3A_148 : memref<1x80x128xf32, #tpu.memory_space<vmem>> -> memref<80x128xf32, #tpu.memory_space<vmem>>
      %dma_start3A_150 = arith.constant 0 : i32
      %dma_start3A_151 = tpu.memref_slice %arg2[%multiple_of3A_143, %dma_start3A_150] : memref<320000x128xf32, #tpu.memory_space<hbm>> -> memref<80x128xf32, #tpu.memory_space<hbm>>
      %dma_start3A_152 = arith.constant 0 : i32
      %dma_start3A_153 = arith.constant 0 : i32
      %dma_start3A_154 = tpu.memref_slice %arg9[%sub3A_145, %dma_start3A_152, %dma_start3A_153] : memref<2x80x128xf32, #tpu.memory_space<vmem>> -> memref<1x80x128xf32, #tpu.memory_space<vmem>>
      %dma_start3A_155 = tpu.memref_squeeze %dma_start3A_154 : memref<1x80x128xf32, #tpu.memory_space<vmem>> -> memref<80x128xf32, #tpu.memory_space<vmem>>
      %dma_start3A_156 = arith.constant 0 : i32
      %dma_start3A_157 = tpu.memref_slice %arg2[%multiple_of3A_143, %dma_start3A_156] : memref<320000x128xf32, #tpu.memory_space<hbm>> -> memref<80x128xf32, #tpu.memory_space<hbm>>
      tpu.enqueue_dma source(%dma_start3A_157 : memref<80x128xf32, #tpu.memory_space<hbm>>) target(%dma_start3A_155 : memref<80x128xf32, #tpu.memory_space<vmem>>) target_semaphore(%arg10 : memref<!tpu.dma_semaphore, #tpu.memory_space<semaphore_mem>>)
      %mul3A_158 = arith.constant 80 : i32
      %mul3A_159 = arith.muli %add3A_117, %mul3A_158 : i32
      %add3A_160 = arith.addi %mul3A_4, %mul3A_159 : i32
      %multiple_of3A_161 = tpu.assume_multiple %add3A_160, 8 : i32
      %dma_wait3A_162 = arith.constant 0 : i32
      %dma_wait3A_163 = arith.constant 0 : i32
      %dma_wait3A_164 = tpu.memref_slice %arg9[%select_n3A_135, %dma_wait3A_162, %dma_wait3A_163] : memref<2x80x128xf32, #tpu.memory_space<vmem>> -> memref<1x80x128xf32, #tpu.memory_space<vmem>>
      %dma_wait3A_165 = tpu.memref_squeeze %dma_wait3A_164 : memref<1x80x128xf32, #tpu.memory_space<vmem>> -> memref<80x128xf32, #tpu.memory_space<vmem>>
      %dma_wait3A_166 = arith.constant 0 : i32
      %dma_wait3A_167 = tpu.memref_slice %arg2[%multiple_of3A_161, %dma_wait3A_166] : memref<320000x128xf32, #tpu.memory_space<hbm>> -> memref<80x128xf32, #tpu.memory_space<hbm>>
      %dma_wait3A_168 = arith.constant 0 : i32
      %dma_wait3A_169 = arith.constant 0 : i32
      %dma_wait3A_170 = tpu.memref_slice %arg9[%select_n3A_135, %dma_wait3A_168, %dma_wait3A_169] : memref<2x80x128xf32, #tpu.memory_space<vmem>> -> memref<1x80x128xf32, #tpu.memory_space<vmem>>
      %dma_wait3A_171 = tpu.memref_squeeze %dma_wait3A_170 : memref<1x80x128xf32, #tpu.memory_space<vmem>> -> memref<80x128xf32, #tpu.memory_space<vmem>>
      %dma_wait3A_172 = arith.constant 0 : i32
      %dma_wait3A_173 = tpu.memref_slice %arg2[%multiple_of3A_161, %dma_wait3A_172] : memref<320000x128xf32, #tpu.memory_space<hbm>> -> memref<80x128xf32, #tpu.memory_space<hbm>>
      tpu.wait_dma2 semaphore(%arg10 : memref<!tpu.dma_semaphore, #tpu.memory_space<semaphore_mem>>) src(%dma_wait3A_173 : memref<80x128xf32, #tpu.memory_space<hbm>>) dst(%dma_wait3A_171 : memref<80x128xf32, #tpu.memory_space<vmem>>)
      %run_scoped3A_174 = arith.constant 1 : i32
      "tpu.region"() ({
        %run_scoped3A_358 = tpu.sem_alloc : memref<!tpu.dma_semaphore, #tpu.memory_space<semaphore_mem>>
        %dma_start3A_359 = arith.constant 0 : i32
        %dma_start3A_360 = arith.constant 0 : i32
        %dma_start3A_361 = tpu.memref_slice %arg9[%select_n3A_135, %dma_start3A_359, %dma_start3A_360] : memref<2x80x128xf32, #tpu.memory_space<vmem>> -> memref<1x80x128xf32, #tpu.memory_space<vmem>>
        %dma_start3A_362 = tpu.memref_squeeze %dma_start3A_361 : memref<1x80x128xf32, #tpu.memory_space<vmem>> -> memref<80x128xf32, #tpu.memory_space<vmem>>
        %dma_start3A_363 = arith.constant 0 : i32
        %dma_start3A_364 = tpu.memref_slice %arg8[%run_scoped3A_174, %dma_start3A_363] : memref<5x80xi32, #tpu.memory_space<vmem>> -> memref<1x80xi32, #tpu.memory_space<vmem>>
        %dma_start3A_365 = tpu.memref_squeeze %dma_start3A_364 : memref<1x80xi32, #tpu.memory_space<vmem>> -> memref<80xi32, #tpu.memory_space<vmem>>
        %dma_start3A_366 = arith.constant 0 : i32
        %dma_start3A_367 = arith.constant 0 : i32
        %dma_start3A_368 = tpu.memref_slice %arg12[%dma_start3A_366, %dma_start3A_367] : memref<10240x128xf32, #tpu.memory_space<vmem_shared>> -> memref<10240x128xf32, #tpu.memory_space<vmem_shared>>
        tpu.enqueue_indirect_dma source(%dma_start3A_362 : memref<80x128xf32, #tpu.memory_space<vmem>>) target(%dma_start3A_368 : memref<10240x128xf32, #tpu.memory_space<vmem_shared>>) offsets(%dma_start3A_365 : memref<80xi32, #tpu.memory_space<vmem>>) semaphore(%run_scoped3A_358 : memref<!tpu.dma_semaphore, #tpu.memory_space<semaphore_mem>>) {add = true}
        %dma_wait3A_369 = arith.constant 0 : i32
        %dma_wait3A_370 = arith.constant 0 : i32
        %dma_wait3A_371 = tpu.memref_slice %arg9[%select_n3A_135, %dma_wait3A_369, %dma_wait3A_370] : memref<2x80x128xf32, #tpu.memory_space<vmem>> -> memref<1x80x128xf32, #tpu.memory_space<vmem>>
        %dma_wait3A_372 = tpu.memref_squeeze %dma_wait3A_371 : memref<1x80x128xf32, #tpu.memory_space<vmem>> -> memref<80x128xf32, #tpu.memory_space<vmem>>
        %dma_wait3A_373 = arith.constant 0 : i32
        %dma_wait3A_374 = tpu.memref_slice %arg8[%run_scoped3A_174, %dma_wait3A_373] : memref<5x80xi32, #tpu.memory_space<vmem>> -> memref<1x80xi32, #tpu.memory_space<vmem>>
        %dma_wait3A_375 = tpu.memref_squeeze %dma_wait3A_374 : memref<1x80xi32, #tpu.memory_space<vmem>> -> memref<80xi32, #tpu.memory_space<vmem>>
        %dma_wait3A_376 = arith.constant 0 : i32
        %dma_wait3A_377 = arith.constant 0 : i32
        %dma_wait3A_378 = tpu.memref_slice %arg12[%dma_wait3A_376, %dma_wait3A_377] : memref<10240x128xf32, #tpu.memory_space<vmem_shared>> -> memref<10240x128xf32, #tpu.memory_space<vmem_shared>>
        tpu.wait_indirect_dma semaphore(%run_scoped3A_358 : memref<!tpu.dma_semaphore, #tpu.memory_space<semaphore_mem>>) src(%dma_wait3A_372 : memref<80x128xf32, #tpu.memory_space<vmem>>) dst(%dma_wait3A_378 : memref<10240x128xf32, #tpu.memory_space<vmem_shared>>)
        tpu.yield
      }) : () -> ()
      %mul3A_175 = arith.constant 5 : i32
      %mul3A_176 = arith.muli %add3A_60, %mul3A_175 : i32
      %add3A_177 = arith.constant 2 : i32
      %add3A_178 = arith.addi %mul3A_176, %add3A_177 : i32
      %add3A_179 = arith.constant 2 : i32
      %add3A_180 = arith.addi %add3A_60, %add3A_179 : i32
      %jit3A_181 = arith.constant 2 : i32
      %eq3A_182 = arith.constant 0 : i32
      %eq3A_183 = arith.cmpi eq, %jit3A_181, %eq3A_182 : i32
      %jit3A_184 = arith.constant 1 : i32
      %select_n3A_185 = arith.select %eq3A_183, %jit3A_184, %jit3A_181 : i32
      %rem3A_186 = arith.remsi %add3A_180, %select_n3A_185 : i32
      %ne3A_187 = arith.constant 0 : i32
      %ne3A_188 = arith.cmpi ne, %rem3A_186, %ne3A_187 : i32
      %lt3A_189 = arith.constant 0 : i32
      %lt3A_190 = arith.cmpi slt, %rem3A_186, %lt3A_189 : i32
      %lt3A_191 = arith.constant 0 : i32
      %lt3A_192 = arith.cmpi slt, %select_n3A_185, %lt3A_191 : i32
      %ne3A_193 = arith.xori %lt3A_190, %lt3A_192 : i1
      %and3A_194 = arith.andi %ne3A_193, %ne3A_188 : i1
      %add3A_195 = arith.addi %rem3A_186, %select_n3A_185 : i32
      %select_n3A_196 = arith.select %and3A_194, %add3A_195, %rem3A_186 : i32
      %add3A_197 = arith.constant 1 : i32
      %add3A_198 = arith.addi %add3A_178, %add3A_197 : i32
      %min3A_199 = arith.constant 124 : i32
      %min3A_200 = arith.minsi %add3A_198, %min3A_199 : i32
      %mul3A_201 = arith.constant 80 : i32
      %mul3A_202 = arith.muli %min3A_200, %mul3A_201 : i32
      %add3A_203 = arith.addi %mul3A_4, %mul3A_202 : i32
      %multiple_of3A_204 = tpu.assume_multiple %add3A_203, 8 : i32
      %sub3A_205 = arith.constant 1 : i32
      %sub3A_206 = arith.subi %sub3A_205, %select_n3A_196 : i32
      %dma_start3A_207 = arith.constant 0 : i32
      %dma_start3A_208 = arith.constant 0 : i32
      %dma_start3A_209 = tpu.memref_slice %arg9[%sub3A_206, %dma_start3A_207, %dma_start3A_208] : memref<2x80x128xf32, #tpu.memory_space<vmem>> -> memref<1x80x128xf32, #tpu.memory_space<vmem>>
      %dma_start3A_210 = tpu.memref_squeeze %dma_start3A_209 : memref<1x80x128xf32, #tpu.memory_space<vmem>> -> memref<80x128xf32, #tpu.memory_space<vmem>>
      %dma_start3A_211 = arith.constant 0 : i32
      %dma_start3A_212 = tpu.memref_slice %arg2[%multiple_of3A_204, %dma_start3A_211] : memref<320000x128xf32, #tpu.memory_space<hbm>> -> memref<80x128xf32, #tpu.memory_space<hbm>>
      %dma_start3A_213 = arith.constant 0 : i32
      %dma_start3A_214 = arith.constant 0 : i32
      %dma_start3A_215 = tpu.memref_slice %arg9[%sub3A_206, %dma_start3A_213, %dma_start3A_214] : memref<2x80x128xf32, #tpu.memory_space<vmem>> -> memref<1x80x128xf32, #tpu.memory_space<vmem>>
      %dma_start3A_216 = tpu.memref_squeeze %dma_start3A_215 : memref<1x80x128xf32, #tpu.memory_space<vmem>> -> memref<80x128xf32, #tpu.memory_space<vmem>>
      %dma_start3A_217 = arith.constant 0 : i32
      %dma_start3A_218 = tpu.memref_slice %arg2[%multiple_of3A_204, %dma_start3A_217] : memref<320000x128xf32, #tpu.memory_space<hbm>> -> memref<80x128xf32, #tpu.memory_space<hbm>>
      tpu.enqueue_dma source(%dma_start3A_218 : memref<80x128xf32, #tpu.memory_space<hbm>>) target(%dma_start3A_216 : memref<80x128xf32, #tpu.memory_space<vmem>>) target_semaphore(%arg10 : memref<!tpu.dma_semaphore, #tpu.memory_space<semaphore_mem>>)
      %mul3A_219 = arith.constant 80 : i32
      %mul3A_220 = arith.muli %add3A_178, %mul3A_219 : i32
      %add3A_221 = arith.addi %mul3A_4, %mul3A_220 : i32
      %multiple_of3A_222 = tpu.assume_multiple %add3A_221, 8 : i32
      %dma_wait3A_223 = arith.constant 0 : i32
      %dma_wait3A_224 = arith.constant 0 : i32
      %dma_wait3A_225 = tpu.memref_slice %arg9[%select_n3A_196, %dma_wait3A_223, %dma_wait3A_224] : memref<2x80x128xf32, #tpu.memory_space<vmem>> -> memref<1x80x128xf32, #tpu.memory_space<vmem>>
      %dma_wait3A_226 = tpu.memref_squeeze %dma_wait3A_225 : memref<1x80x128xf32, #tpu.memory_space<vmem>> -> memref<80x128xf32, #tpu.memory_space<vmem>>
      %dma_wait3A_227 = arith.constant 0 : i32
      %dma_wait3A_228 = tpu.memref_slice %arg2[%multiple_of3A_222, %dma_wait3A_227] : memref<320000x128xf32, #tpu.memory_space<hbm>> -> memref<80x128xf32, #tpu.memory_space<hbm>>
      %dma_wait3A_229 = arith.constant 0 : i32
      %dma_wait3A_230 = arith.constant 0 : i32
      %dma_wait3A_231 = tpu.memref_slice %arg9[%select_n3A_196, %dma_wait3A_229, %dma_wait3A_230] : memref<2x80x128xf32, #tpu.memory_space<vmem>> -> memref<1x80x128xf32, #tpu.memory_space<vmem>>
      %dma_wait3A_232 = tpu.memref_squeeze %dma_wait3A_231 : memref<1x80x128xf32, #tpu.memory_space<vmem>> -> memref<80x128xf32, #tpu.memory_space<vmem>>
      %dma_wait3A_233 = arith.constant 0 : i32
      %dma_wait3A_234 = tpu.memref_slice %arg2[%multiple_of3A_222, %dma_wait3A_233] : memref<320000x128xf32, #tpu.memory_space<hbm>> -> memref<80x128xf32, #tpu.memory_space<hbm>>
      tpu.wait_dma2 semaphore(%arg10 : memref<!tpu.dma_semaphore, #tpu.memory_space<semaphore_mem>>) src(%dma_wait3A_234 : memref<80x128xf32, #tpu.memory_space<hbm>>) dst(%dma_wait3A_232 : memref<80x128xf32, #tpu.memory_space<vmem>>)
      %run_scoped3A_235 = arith.constant 2 : i32
      "tpu.region"() ({
        %run_scoped3A_358 = tpu.sem_alloc : memref<!tpu.dma_semaphore, #tpu.memory_space<semaphore_mem>>
        %dma_start3A_359 = arith.constant 0 : i32
        %dma_start3A_360 = arith.constant 0 : i32
        %dma_start3A_361 = tpu.memref_slice %arg9[%select_n3A_196, %dma_start3A_359, %dma_start3A_360] : memref<2x80x128xf32, #tpu.memory_space<vmem>> -> memref<1x80x128xf32, #tpu.memory_space<vmem>>
        %dma_start3A_362 = tpu.memref_squeeze %dma_start3A_361 : memref<1x80x128xf32, #tpu.memory_space<vmem>> -> memref<80x128xf32, #tpu.memory_space<vmem>>
        %dma_start3A_363 = arith.constant 0 : i32
        %dma_start3A_364 = tpu.memref_slice %arg8[%run_scoped3A_235, %dma_start3A_363] : memref<5x80xi32, #tpu.memory_space<vmem>> -> memref<1x80xi32, #tpu.memory_space<vmem>>
        %dma_start3A_365 = tpu.memref_squeeze %dma_start3A_364 : memref<1x80xi32, #tpu.memory_space<vmem>> -> memref<80xi32, #tpu.memory_space<vmem>>
        %dma_start3A_366 = arith.constant 0 : i32
        %dma_start3A_367 = arith.constant 0 : i32
        %dma_start3A_368 = tpu.memref_slice %arg12[%dma_start3A_366, %dma_start3A_367] : memref<10240x128xf32, #tpu.memory_space<vmem_shared>> -> memref<10240x128xf32, #tpu.memory_space<vmem_shared>>
        tpu.enqueue_indirect_dma source(%dma_start3A_362 : memref<80x128xf32, #tpu.memory_space<vmem>>) target(%dma_start3A_368 : memref<10240x128xf32, #tpu.memory_space<vmem_shared>>) offsets(%dma_start3A_365 : memref<80xi32, #tpu.memory_space<vmem>>) semaphore(%run_scoped3A_358 : memref<!tpu.dma_semaphore, #tpu.memory_space<semaphore_mem>>) {add = true}
        %dma_wait3A_369 = arith.constant 0 : i32
        %dma_wait3A_370 = arith.constant 0 : i32
        %dma_wait3A_371 = tpu.memref_slice %arg9[%select_n3A_196, %dma_wait3A_369, %dma_wait3A_370] : memref<2x80x128xf32, #tpu.memory_space<vmem>> -> memref<1x80x128xf32, #tpu.memory_space<vmem>>
        %dma_wait3A_372 = tpu.memref_squeeze %dma_wait3A_371 : memref<1x80x128xf32, #tpu.memory_space<vmem>> -> memref<80x128xf32, #tpu.memory_space<vmem>>
        %dma_wait3A_373 = arith.constant 0 : i32
        %dma_wait3A_374 = tpu.memref_slice %arg8[%run_scoped3A_235, %dma_wait3A_373] : memref<5x80xi32, #tpu.memory_space<vmem>> -> memref<1x80xi32, #tpu.memory_space<vmem>>
        %dma_wait3A_375 = tpu.memref_squeeze %dma_wait3A_374 : memref<1x80xi32, #tpu.memory_space<vmem>> -> memref<80xi32, #tpu.memory_space<vmem>>
        %dma_wait3A_376 = arith.constant 0 : i32
        %dma_wait3A_377 = arith.constant 0 : i32
        %dma_wait3A_378 = tpu.memref_slice %arg12[%dma_wait3A_376, %dma_wait3A_377] : memref<10240x128xf32, #tpu.memory_space<vmem_shared>> -> memref<10240x128xf32, #tpu.memory_space<vmem_shared>>
        tpu.wait_indirect_dma semaphore(%run_scoped3A_358 : memref<!tpu.dma_semaphore, #tpu.memory_space<semaphore_mem>>) src(%dma_wait3A_372 : memref<80x128xf32, #tpu.memory_space<vmem>>) dst(%dma_wait3A_378 : memref<10240x128xf32, #tpu.memory_space<vmem_shared>>)
        tpu.yield
      }) : () -> ()
      %mul3A_236 = arith.constant 5 : i32
      %mul3A_237 = arith.muli %add3A_60, %mul3A_236 : i32
      %add3A_238 = arith.constant 3 : i32
      %add3A_239 = arith.addi %mul3A_237, %add3A_238 : i32
      %add3A_240 = arith.constant 3 : i32
      %add3A_241 = arith.addi %add3A_60, %add3A_240 : i32
      %jit3A_242 = arith.constant 2 : i32
      %eq3A_243 = arith.constant 0 : i32
      %eq3A_244 = arith.cmpi eq, %jit3A_242, %eq3A_243 : i32
      %jit3A_245 = arith.constant 1 : i32
      %select_n3A_246 = arith.select %eq3A_244, %jit3A_245, %jit3A_242 : i32
      %rem3A_247 = arith.remsi %add3A_241, %select_n3A_246 : i32
      %ne3A_248 = arith.constant 0 : i32
      %ne3A_249 = arith.cmpi ne, %rem3A_247, %ne3A_248 : i32
      %lt3A_250 = arith.constant 0 : i32
      %lt3A_251 = arith.cmpi slt, %rem3A_247, %lt3A_250 : i32
      %lt3A_252 = arith.constant 0 : i32
      %lt3A_253 = arith.cmpi slt, %select_n3A_246, %lt3A_252 : i32
      %ne3A_254 = arith.xori %lt3A_251, %lt3A_253 : i1
      %and3A_255 = arith.andi %ne3A_254, %ne3A_249 : i1
      %add3A_256 = arith.addi %rem3A_247, %select_n3A_246 : i32
      %select_n3A_257 = arith.select %and3A_255, %add3A_256, %rem3A_247 : i32
      %add3A_258 = arith.constant 1 : i32
      %add3A_259 = arith.addi %add3A_239, %add3A_258 : i32
      %min3A_260 = arith.constant 124 : i32
      %min3A_261 = arith.minsi %add3A_259, %min3A_260 : i32
      %mul3A_262 = arith.constant 80 : i32
      %mul3A_263 = arith.muli %min3A_261, %mul3A_262 : i32
      %add3A_264 = arith.addi %mul3A_4, %mul3A_263 : i32
      %multiple_of3A_265 = tpu.assume_multiple %add3A_264, 8 : i32
      %sub3A_266 = arith.constant 1 : i32
      %sub3A_267 = arith.subi %sub3A_266, %select_n3A_257 : i32
      %dma_start3A_268 = arith.constant 0 : i32
      %dma_start3A_269 = arith.constant 0 : i32
      %dma_start3A_270 = tpu.memref_slice %arg9[%sub3A_267, %dma_start3A_268, %dma_start3A_269] : memref<2x80x128xf32, #tpu.memory_space<vmem>> -> memref<1x80x128xf32, #tpu.memory_space<vmem>>
      %dma_start3A_271 = tpu.memref_squeeze %dma_start3A_270 : memref<1x80x128xf32, #tpu.memory_space<vmem>> -> memref<80x128xf32, #tpu.memory_space<vmem>>
      %dma_start3A_272 = arith.constant 0 : i32
      %dma_start3A_273 = tpu.memref_slice %arg2[%multiple_of3A_265, %dma_start3A_272] : memref<320000x128xf32, #tpu.memory_space<hbm>> -> memref<80x128xf32, #tpu.memory_space<hbm>>
      %dma_start3A_274 = arith.constant 0 : i32
      %dma_start3A_275 = arith.constant 0 : i32
      %dma_start3A_276 = tpu.memref_slice %arg9[%sub3A_267, %dma_start3A_274, %dma_start3A_275] : memref<2x80x128xf32, #tpu.memory_space<vmem>> -> memref<1x80x128xf32, #tpu.memory_space<vmem>>
      %dma_start3A_277 = tpu.memref_squeeze %dma_start3A_276 : memref<1x80x128xf32, #tpu.memory_space<vmem>> -> memref<80x128xf32, #tpu.memory_space<vmem>>
      %dma_start3A_278 = arith.constant 0 : i32
      %dma_start3A_279 = tpu.memref_slice %arg2[%multiple_of3A_265, %dma_start3A_278] : memref<320000x128xf32, #tpu.memory_space<hbm>> -> memref<80x128xf32, #tpu.memory_space<hbm>>
      tpu.enqueue_dma source(%dma_start3A_279 : memref<80x128xf32, #tpu.memory_space<hbm>>) target(%dma_start3A_277 : memref<80x128xf32, #tpu.memory_space<vmem>>) target_semaphore(%arg10 : memref<!tpu.dma_semaphore, #tpu.memory_space<semaphore_mem>>)
      %mul3A_280 = arith.constant 80 : i32
      %mul3A_281 = arith.muli %add3A_239, %mul3A_280 : i32
      %add3A_282 = arith.addi %mul3A_4, %mul3A_281 : i32
      %multiple_of3A_283 = tpu.assume_multiple %add3A_282, 8 : i32
      %dma_wait3A_284 = arith.constant 0 : i32
      %dma_wait3A_285 = arith.constant 0 : i32
      %dma_wait3A_286 = tpu.memref_slice %arg9[%select_n3A_257, %dma_wait3A_284, %dma_wait3A_285] : memref<2x80x128xf32, #tpu.memory_space<vmem>> -> memref<1x80x128xf32, #tpu.memory_space<vmem>>
      %dma_wait3A_287 = tpu.memref_squeeze %dma_wait3A_286 : memref<1x80x128xf32, #tpu.memory_space<vmem>> -> memref<80x128xf32, #tpu.memory_space<vmem>>
      %dma_wait3A_288 = arith.constant 0 : i32
      %dma_wait3A_289 = tpu.memref_slice %arg2[%multiple_of3A_283, %dma_wait3A_288] : memref<320000x128xf32, #tpu.memory_space<hbm>> -> memref<80x128xf32, #tpu.memory_space<hbm>>
      %dma_wait3A_290 = arith.constant 0 : i32
      %dma_wait3A_291 = arith.constant 0 : i32
      %dma_wait3A_292 = tpu.memref_slice %arg9[%select_n3A_257, %dma_wait3A_290, %dma_wait3A_291] : memref<2x80x128xf32, #tpu.memory_space<vmem>> -> memref<1x80x128xf32, #tpu.memory_space<vmem>>
      %dma_wait3A_293 = tpu.memref_squeeze %dma_wait3A_292 : memref<1x80x128xf32, #tpu.memory_space<vmem>> -> memref<80x128xf32, #tpu.memory_space<vmem>>
      %dma_wait3A_294 = arith.constant 0 : i32
      %dma_wait3A_295 = tpu.memref_slice %arg2[%multiple_of3A_283, %dma_wait3A_294] : memref<320000x128xf32, #tpu.memory_space<hbm>> -> memref<80x128xf32, #tpu.memory_space<hbm>>
      tpu.wait_dma2 semaphore(%arg10 : memref<!tpu.dma_semaphore, #tpu.memory_space<semaphore_mem>>) src(%dma_wait3A_295 : memref<80x128xf32, #tpu.memory_space<hbm>>) dst(%dma_wait3A_293 : memref<80x128xf32, #tpu.memory_space<vmem>>)
      %run_scoped3A_296 = arith.constant 3 : i32
      "tpu.region"() ({
        %run_scoped3A_358 = tpu.sem_alloc : memref<!tpu.dma_semaphore, #tpu.memory_space<semaphore_mem>>
        %dma_start3A_359 = arith.constant 0 : i32
        %dma_start3A_360 = arith.constant 0 : i32
        %dma_start3A_361 = tpu.memref_slice %arg9[%select_n3A_257, %dma_start3A_359, %dma_start3A_360] : memref<2x80x128xf32, #tpu.memory_space<vmem>> -> memref<1x80x128xf32, #tpu.memory_space<vmem>>
        %dma_start3A_362 = tpu.memref_squeeze %dma_start3A_361 : memref<1x80x128xf32, #tpu.memory_space<vmem>> -> memref<80x128xf32, #tpu.memory_space<vmem>>
        %dma_start3A_363 = arith.constant 0 : i32
        %dma_start3A_364 = tpu.memref_slice %arg8[%run_scoped3A_296, %dma_start3A_363] : memref<5x80xi32, #tpu.memory_space<vmem>> -> memref<1x80xi32, #tpu.memory_space<vmem>>
        %dma_start3A_365 = tpu.memref_squeeze %dma_start3A_364 : memref<1x80xi32, #tpu.memory_space<vmem>> -> memref<80xi32, #tpu.memory_space<vmem>>
        %dma_start3A_366 = arith.constant 0 : i32
        %dma_start3A_367 = arith.constant 0 : i32
        %dma_start3A_368 = tpu.memref_slice %arg12[%dma_start3A_366, %dma_start3A_367] : memref<10240x128xf32, #tpu.memory_space<vmem_shared>> -> memref<10240x128xf32, #tpu.memory_space<vmem_shared>>
        tpu.enqueue_indirect_dma source(%dma_start3A_362 : memref<80x128xf32, #tpu.memory_space<vmem>>) target(%dma_start3A_368 : memref<10240x128xf32, #tpu.memory_space<vmem_shared>>) offsets(%dma_start3A_365 : memref<80xi32, #tpu.memory_space<vmem>>) semaphore(%run_scoped3A_358 : memref<!tpu.dma_semaphore, #tpu.memory_space<semaphore_mem>>) {add = true}
        %dma_wait3A_369 = arith.constant 0 : i32
        %dma_wait3A_370 = arith.constant 0 : i32
        %dma_wait3A_371 = tpu.memref_slice %arg9[%select_n3A_257, %dma_wait3A_369, %dma_wait3A_370] : memref<2x80x128xf32, #tpu.memory_space<vmem>> -> memref<1x80x128xf32, #tpu.memory_space<vmem>>
        %dma_wait3A_372 = tpu.memref_squeeze %dma_wait3A_371 : memref<1x80x128xf32, #tpu.memory_space<vmem>> -> memref<80x128xf32, #tpu.memory_space<vmem>>
        %dma_wait3A_373 = arith.constant 0 : i32
        %dma_wait3A_374 = tpu.memref_slice %arg8[%run_scoped3A_296, %dma_wait3A_373] : memref<5x80xi32, #tpu.memory_space<vmem>> -> memref<1x80xi32, #tpu.memory_space<vmem>>
        %dma_wait3A_375 = tpu.memref_squeeze %dma_wait3A_374 : memref<1x80xi32, #tpu.memory_space<vmem>> -> memref<80xi32, #tpu.memory_space<vmem>>
        %dma_wait3A_376 = arith.constant 0 : i32
        %dma_wait3A_377 = arith.constant 0 : i32
        %dma_wait3A_378 = tpu.memref_slice %arg12[%dma_wait3A_376, %dma_wait3A_377] : memref<10240x128xf32, #tpu.memory_space<vmem_shared>> -> memref<10240x128xf32, #tpu.memory_space<vmem_shared>>
        tpu.wait_indirect_dma semaphore(%run_scoped3A_358 : memref<!tpu.dma_semaphore, #tpu.memory_space<semaphore_mem>>) src(%dma_wait3A_372 : memref<80x128xf32, #tpu.memory_space<vmem>>) dst(%dma_wait3A_378 : memref<10240x128xf32, #tpu.memory_space<vmem_shared>>)
        tpu.yield
      }) : () -> ()
      %mul3A_297 = arith.constant 5 : i32
      %mul3A_298 = arith.muli %add3A_60, %mul3A_297 : i32
      %add3A_299 = arith.constant 4 : i32
      %add3A_300 = arith.addi %mul3A_298, %add3A_299 : i32
      %add3A_301 = arith.constant 4 : i32
      %add3A_302 = arith.addi %add3A_60, %add3A_301 : i32
      %jit3A_303 = arith.constant 2 : i32
      %eq3A_304 = arith.constant 0 : i32
      %eq3A_305 = arith.cmpi eq, %jit3A_303, %eq3A_304 : i32
      %jit3A_306 = arith.constant 1 : i32
      %select_n3A_307 = arith.select %eq3A_305, %jit3A_306, %jit3A_303 : i32
      %rem3A_308 = arith.remsi %add3A_302, %select_n3A_307 : i32
      %ne3A_309 = arith.constant 0 : i32
      %ne3A_310 = arith.cmpi ne, %rem3A_308, %ne3A_309 : i32
      %lt3A_311 = arith.constant 0 : i32
      %lt3A_312 = arith.cmpi slt, %rem3A_308, %lt3A_311 : i32
      %lt3A_313 = arith.constant 0 : i32
      %lt3A_314 = arith.cmpi slt, %select_n3A_307, %lt3A_313 : i32
      %ne3A_315 = arith.xori %lt3A_312, %lt3A_314 : i1
      %and3A_316 = arith.andi %ne3A_315, %ne3A_310 : i1
      %add3A_317 = arith.addi %rem3A_308, %select_n3A_307 : i32
      %select_n3A_318 = arith.select %and3A_316, %add3A_317, %rem3A_308 : i32
      %add3A_319 = arith.constant 1 : i32
      %add3A_320 = arith.addi %add3A_300, %add3A_319 : i32
      %min3A_321 = arith.constant 124 : i32
      %min3A_322 = arith.minsi %add3A_320, %min3A_321 : i32
      %mul3A_323 = arith.constant 80 : i32
      %mul3A_324 = arith.muli %min3A_322, %mul3A_323 : i32
      %add3A_325 = arith.addi %mul3A_4, %mul3A_324 : i32
      %multiple_of3A_326 = tpu.assume_multiple %add3A_325, 8 : i32
      %sub3A_327 = arith.constant 1 : i32
      %sub3A_328 = arith.subi %sub3A_327, %select_n3A_318 : i32
      %dma_start3A_329 = arith.constant 0 : i32
      %dma_start3A_330 = arith.constant 0 : i32
      %dma_start3A_331 = tpu.memref_slice %arg9[%sub3A_328, %dma_start3A_329, %dma_start3A_330] : memref<2x80x128xf32, #tpu.memory_space<vmem>> -> memref<1x80x128xf32, #tpu.memory_space<vmem>>
      %dma_start3A_332 = tpu.memref_squeeze %dma_start3A_331 : memref<1x80x128xf32, #tpu.memory_space<vmem>> -> memref<80x128xf32, #tpu.memory_space<vmem>>
      %dma_start3A_333 = arith.constant 0 : i32
      %dma_start3A_334 = tpu.memref_slice %arg2[%multiple_of3A_326, %dma_start3A_333] : memref<320000x128xf32, #tpu.memory_space<hbm>> -> memref<80x128xf32, #tpu.memory_space<hbm>>
      %dma_start3A_335 = arith.constant 0 : i32
      %dma_start3A_336 = arith.constant 0 : i32
      %dma_start3A_337 = tpu.memref_slice %arg9[%sub3A_328, %dma_start3A_335, %dma_start3A_336] : memref<2x80x128xf32, #tpu.memory_space<vmem>> -> memref<1x80x128xf32, #tpu.memory_space<vmem>>
      %dma_start3A_338 = tpu.memref_squeeze %dma_start3A_337 : memref<1x80x128xf32, #tpu.memory_space<vmem>> -> memref<80x128xf32, #tpu.memory_space<vmem>>
      %dma_start3A_339 = arith.constant 0 : i32
      %dma_start3A_340 = tpu.memref_slice %arg2[%multiple_of3A_326, %dma_start3A_339] : memref<320000x128xf32, #tpu.memory_space<hbm>> -> memref<80x128xf32, #tpu.memory_space<hbm>>
      tpu.enqueue_dma source(%dma_start3A_340 : memref<80x128xf32, #tpu.memory_space<hbm>>) target(%dma_start3A_338 : memref<80x128xf32, #tpu.memory_space<vmem>>) target_semaphore(%arg10 : memref<!tpu.dma_semaphore, #tpu.memory_space<semaphore_mem>>)
      %mul3A_341 = arith.constant 80 : i32
      %mul3A_342 = arith.muli %add3A_300, %mul3A_341 : i32
      %add3A_343 = arith.addi %mul3A_4, %mul3A_342 : i32
      %multiple_of3A_344 = tpu.assume_multiple %add3A_343, 8 : i32
      %dma_wait3A_345 = arith.constant 0 : i32
      %dma_wait3A_346 = arith.constant 0 : i32
      %dma_wait3A_347 = tpu.memref_slice %arg9[%select_n3A_318, %dma_wait3A_345, %dma_wait3A_346] : memref<2x80x128xf32, #tpu.memory_space<vmem>> -> memref<1x80x128xf32, #tpu.memory_space<vmem>>
      %dma_wait3A_348 = tpu.memref_squeeze %dma_wait3A_347 : memref<1x80x128xf32, #tpu.memory_space<vmem>> -> memref<80x128xf32, #tpu.memory_space<vmem>>
      %dma_wait3A_349 = arith.constant 0 : i32
      %dma_wait3A_350 = tpu.memref_slice %arg2[%multiple_of3A_344, %dma_wait3A_349] : memref<320000x128xf32, #tpu.memory_space<hbm>> -> memref<80x128xf32, #tpu.memory_space<hbm>>
      %dma_wait3A_351 = arith.constant 0 : i32
      %dma_wait3A_352 = arith.constant 0 : i32
      %dma_wait3A_353 = tpu.memref_slice %arg9[%select_n3A_318, %dma_wait3A_351, %dma_wait3A_352] : memref<2x80x128xf32, #tpu.memory_space<vmem>> -> memref<1x80x128xf32, #tpu.memory_space<vmem>>
      %dma_wait3A_354 = tpu.memref_squeeze %dma_wait3A_353 : memref<1x80x128xf32, #tpu.memory_space<vmem>> -> memref<80x128xf32, #tpu.memory_space<vmem>>
      %dma_wait3A_355 = arith.constant 0 : i32
      %dma_wait3A_356 = tpu.memref_slice %arg2[%multiple_of3A_344, %dma_wait3A_355] : memref<320000x128xf32, #tpu.memory_space<hbm>> -> memref<80x128xf32, #tpu.memory_space<hbm>>
      tpu.wait_dma2 semaphore(%arg10 : memref<!tpu.dma_semaphore, #tpu.memory_space<semaphore_mem>>) src(%dma_wait3A_356 : memref<80x128xf32, #tpu.memory_space<hbm>>) dst(%dma_wait3A_354 : memref<80x128xf32, #tpu.memory_space<vmem>>)
      %run_scoped3A_357 = arith.constant 4 : i32
      "tpu.region"() ({
        %run_scoped3A_358 = tpu.sem_alloc : memref<!tpu.dma_semaphore, #tpu.memory_space<semaphore_mem>>
        %dma_start3A_359 = arith.constant 0 : i32
        %dma_start3A_360 = arith.constant 0 : i32
        %dma_start3A_361 = tpu.memref_slice %arg9[%select_n3A_318, %dma_start3A_359, %dma_start3A_360] : memref<2x80x128xf32, #tpu.memory_space<vmem>> -> memref<1x80x128xf32, #tpu.memory_space<vmem>>
        %dma_start3A_362 = tpu.memref_squeeze %dma_start3A_361 : memref<1x80x128xf32, #tpu.memory_space<vmem>> -> memref<80x128xf32, #tpu.memory_space<vmem>>
        %dma_start3A_363 = arith.constant 0 : i32
        %dma_start3A_364 = tpu.memref_slice %arg8[%run_scoped3A_357, %dma_start3A_363] : memref<5x80xi32, #tpu.memory_space<vmem>> -> memref<1x80xi32, #tpu.memory_space<vmem>>
        %dma_start3A_365 = tpu.memref_squeeze %dma_start3A_364 : memref<1x80xi32, #tpu.memory_space<vmem>> -> memref<80xi32, #tpu.memory_space<vmem>>
        %dma_start3A_366 = arith.constant 0 : i32
        %dma_start3A_367 = arith.constant 0 : i32
        %dma_start3A_368 = tpu.memref_slice %arg12[%dma_start3A_366, %dma_start3A_367] : memref<10240x128xf32, #tpu.memory_space<vmem_shared>> -> memref<10240x128xf32, #tpu.memory_space<vmem_shared>>
        tpu.enqueue_indirect_dma source(%dma_start3A_362 : memref<80x128xf32, #tpu.memory_space<vmem>>) target(%dma_start3A_368 : memref<10240x128xf32, #tpu.memory_space<vmem_shared>>) offsets(%dma_start3A_365 : memref<80xi32, #tpu.memory_space<vmem>>) semaphore(%run_scoped3A_358 : memref<!tpu.dma_semaphore, #tpu.memory_space<semaphore_mem>>) {add = true}
        %dma_wait3A_369 = arith.constant 0 : i32
        %dma_wait3A_370 = arith.constant 0 : i32
        %dma_wait3A_371 = tpu.memref_slice %arg9[%select_n3A_318, %dma_wait3A_369, %dma_wait3A_370] : memref<2x80x128xf32, #tpu.memory_space<vmem>> -> memref<1x80x128xf32, #tpu.memory_space<vmem>>
        %dma_wait3A_372 = tpu.memref_squeeze %dma_wait3A_371 : memref<1x80x128xf32, #tpu.memory_space<vmem>> -> memref<80x128xf32, #tpu.memory_space<vmem>>
        %dma_wait3A_373 = arith.constant 0 : i32
        %dma_wait3A_374 = tpu.memref_slice %arg8[%run_scoped3A_357, %dma_wait3A_373] : memref<5x80xi32, #tpu.memory_space<vmem>> -> memref<1x80xi32, #tpu.memory_space<vmem>>
        %dma_wait3A_375 = tpu.memref_squeeze %dma_wait3A_374 : memref<1x80xi32, #tpu.memory_space<vmem>> -> memref<80xi32, #tpu.memory_space<vmem>>
        %dma_wait3A_376 = arith.constant 0 : i32
        %dma_wait3A_377 = arith.constant 0 : i32
        %dma_wait3A_378 = tpu.memref_slice %arg12[%dma_wait3A_376, %dma_wait3A_377] : memref<10240x128xf32, #tpu.memory_space<vmem_shared>> -> memref<10240x128xf32, #tpu.memory_space<vmem_shared>>
        tpu.wait_indirect_dma semaphore(%run_scoped3A_358 : memref<!tpu.dma_semaphore, #tpu.memory_space<semaphore_mem>>) src(%dma_wait3A_372 : memref<80x128xf32, #tpu.memory_space<vmem>>) dst(%dma_wait3A_378 : memref<10240x128xf32, #tpu.memory_space<vmem_shared>>)
        tpu.yield
      }) : () -> ()
    }
    %scan3A_22 = arith.constant 25 : i32
    %add3A_23 = arith.constant 0 : i32
    %add3A_24 = arith.addi %mul3A_4, %add3A_23 : i32
    %multiple_of3A_25 = tpu.assume_multiple %add3A_24, 8 : i32
    %dma_wait3A = arith.constant 0 : i32
    %dma_wait3A_26 = arith.constant 0 : i32
    %dma_wait3A_27 = arith.constant 0 : i32
    %dma_wait3A_28 = tpu.memref_slice %arg9[%dma_wait3A, %dma_wait3A_26, %dma_wait3A_27] : memref<2x80x128xf32, #tpu.memory_space<vmem>> -> memref<1x80x128xf32, #tpu.memory_space<vmem>>
    %dma_wait3A_29 = tpu.memref_squeeze %dma_wait3A_28 : memref<1x80x128xf32, #tpu.memory_space<vmem>> -> memref<80x128xf32, #tpu.memory_space<vmem>>
    %dma_wait3A_30 = arith.constant 0 : i32
    %dma_wait3A_31 = tpu.memref_slice %arg2[%multiple_of3A_25, %dma_wait3A_30] : memref<320000x128xf32, #tpu.memory_space<hbm>> -> memref<80x128xf32, #tpu.memory_space<hbm>>
    %dma_wait3A_32 = arith.constant 0 : i32
    %dma_wait3A_33 = arith.constant 0 : i32
    %dma_wait3A_34 = tpu.memref_slice %arg9[%dma_wait3A, %dma_wait3A_32, %dma_wait3A_33] : memref<2x80x128xf32, #tpu.memory_space<vmem>> -> memref<1x80x128xf32, #tpu.memory_space<vmem>>
    %dma_wait3A_35 = tpu.memref_squeeze %dma_wait3A_34 : memref<1x80x128xf32, #tpu.memory_space<vmem>> -> memref<80x128xf32, #tpu.memory_space<vmem>>
    %dma_wait3A_36 = arith.constant 0 : i32
    %dma_wait3A_37 = tpu.memref_slice %arg2[%multiple_of3A_25, %dma_wait3A_36] : memref<320000x128xf32, #tpu.memory_space<hbm>> -> memref<80x128xf32, #tpu.memory_space<hbm>>
    tpu.wait_dma2 semaphore(%arg10 : memref<!tpu.dma_semaphore, #tpu.memory_space<semaphore_mem>>) src(%dma_wait3A_37 : memref<80x128xf32, #tpu.memory_space<hbm>>) dst(%dma_wait3A_35 : memref<80x128xf32, #tpu.memory_space<vmem>>)
    %barrier3A_38 = arith.constant 0 : index
    tpu.barrier barrier_id(%barrier3A_38)
    %eq3A_39 = arith.constant 0 : i32
    %eq3A_40 = arith.cmpi eq, %arg1, %eq3A_39 : i32
    %convert_element_type3A_41 = arith.extui %eq3A_40 : i1 to i32
    %cond3A_42 = arith.constant 0 : i32
    %cond3A_43 = arith.cmpi ne, %convert_element_type3A_41, %cond3A_42 : i32
    scf.if %cond3A_43 {
      "tpu.region"() ({
        %run_scoped3A_56 = tpu.sem_alloc : memref<!tpu.dma_semaphore, #tpu.memory_space<semaphore_mem>>
        %dma_start3A_57 = arith.constant 0 : i32
        %dma_start3A_58 = arith.constant 0 : i32
        %dma_start3A_59 = tpu.memref_slice %arg6[%arg0, %dma_start3A_57, %dma_start3A_58] : memref<2x10240x128xf32, #tpu.memory_space<hbm>> -> memref<1x10240x128xf32, #tpu.memory_space<hbm>>
        %dma_start3A_60 = tpu.memref_squeeze %dma_start3A_59 : memref<1x10240x128xf32, #tpu.memory_space<hbm>> -> memref<10240x128xf32, #tpu.memory_space<hbm>>
        tpu.enqueue_dma source(%arg12 : memref<10240x128xf32, #tpu.memory_space<vmem_shared>>) target(%dma_start3A_60 : memref<10240x128xf32, #tpu.memory_space<hbm>>) target_semaphore(%run_scoped3A_56 : memref<!tpu.dma_semaphore, #tpu.memory_space<semaphore_mem>>)
        %dma_wait3A_61 = arith.constant 0 : i32
        %dma_wait3A_62 = arith.constant 0 : i32
        %dma_wait3A_63 = tpu.memref_slice %arg6[%arg0, %dma_wait3A_61, %dma_wait3A_62] : memref<2x10240x128xf32, #tpu.memory_space<hbm>> -> memref<1x10240x128xf32, #tpu.memory_space<hbm>>
        %dma_wait3A_64 = tpu.memref_squeeze %dma_wait3A_63 : memref<1x10240x128xf32, #tpu.memory_space<hbm>> -> memref<10240x128xf32, #tpu.memory_space<hbm>>
        tpu.wait_dma2 semaphore(%run_scoped3A_56 : memref<!tpu.dma_semaphore, #tpu.memory_space<semaphore_mem>>) src(%arg12 : memref<10240x128xf32, #tpu.memory_space<vmem_shared>>) dst(%dma_wait3A_64 : memref<10240x128xf32, #tpu.memory_space<hbm>>)
        tpu.yield
      }) : () -> ()
      "tpu.region"() ({
        %run_scoped3A_56 = tpu.sem_alloc : memref<!tpu.dma_semaphore, #tpu.memory_space<semaphore_mem>>
        tpu.enqueue_dma source(%arg4 : memref<10240x128xf32, #tpu.memory_space<hbm>>) target(%arg12 : memref<10240x128xf32, #tpu.memory_space<vmem_shared>>) target_semaphore(%run_scoped3A_56 : memref<!tpu.dma_semaphore, #tpu.memory_space<semaphore_mem>>)
        tpu.wait_dma2 semaphore(%run_scoped3A_56 : memref<!tpu.dma_semaphore, #tpu.memory_space<semaphore_mem>>) src(%arg4 : memref<10240x128xf32, #tpu.memory_space<hbm>>) dst(%arg12 : memref<10240x128xf32, #tpu.memory_space<vmem_shared>>)
        tpu.yield
      }) : () -> ()
    } else {
    }
    %run_scoped3A = arith.constant 0 : i32
    "tpu.region"() ({
      %run_scoped3A_56 = tpu.sem_alloc : memref<!tpu.dma_semaphore, #tpu.memory_space<semaphore_mem>>
      %dma_start3A_57 = arith.constant 0 : i32
      %dma_start3A_58 = arith.constant 0 : i32
      %dma_start3A_59 = tpu.memref_slice %arg9[%run_scoped3A, %dma_start3A_57, %dma_start3A_58] : memref<2x80x128xf32, #tpu.memory_space<vmem>> -> memref<1x80x128xf32, #tpu.memory_space<vmem>>
      %dma_start3A_60 = tpu.memref_squeeze %dma_start3A_59 : memref<1x80x128xf32, #tpu.memory_space<vmem>> -> memref<80x128xf32, #tpu.memory_space<vmem>>
      %dma_start3A_61 = arith.constant 0 : i32
      %dma_start3A_62 = arith.constant 0 : i32
      %dma_start3A_63 = tpu.memref_slice %arg9[%run_scoped3A, %dma_start3A_61, %dma_start3A_62] : memref<2x80x128xf32, #tpu.memory_space<vmem>> -> memref<1x80x128xf32, #tpu.memory_space<vmem>>
      %dma_start3A_64 = tpu.memref_squeeze %dma_start3A_63 : memref<1x80x128xf32, #tpu.memory_space<vmem>> -> memref<80x128xf32, #tpu.memory_space<vmem>>
      tpu.enqueue_dma source(%arg5 : memref<80x128xf32, #tpu.memory_space<hbm>>) target(%dma_start3A_64 : memref<80x128xf32, #tpu.memory_space<vmem>>) target_semaphore(%run_scoped3A_56 : memref<!tpu.dma_semaphore, #tpu.memory_space<semaphore_mem>>)
      %dma_wait3A_65 = arith.constant 0 : i32
      %dma_wait3A_66 = arith.constant 0 : i32
      %dma_wait3A_67 = tpu.memref_slice %arg9[%run_scoped3A, %dma_wait3A_65, %dma_wait3A_66] : memref<2x80x128xf32, #tpu.memory_space<vmem>> -> memref<1x80x128xf32, #tpu.memory_space<vmem>>
      %dma_wait3A_68 = tpu.memref_squeeze %dma_wait3A_67 : memref<1x80x128xf32, #tpu.memory_space<vmem>> -> memref<80x128xf32, #tpu.memory_space<vmem>>
      %dma_wait3A_69 = arith.constant 0 : i32
      %dma_wait3A_70 = arith.constant 0 : i32
      %dma_wait3A_71 = tpu.memref_slice %arg9[%run_scoped3A, %dma_wait3A_69, %dma_wait3A_70] : memref<2x80x128xf32, #tpu.memory_space<vmem>> -> memref<1x80x128xf32, #tpu.memory_space<vmem>>
      %dma_wait3A_72 = tpu.memref_squeeze %dma_wait3A_71 : memref<1x80x128xf32, #tpu.memory_space<vmem>> -> memref<80x128xf32, #tpu.memory_space<vmem>>
      tpu.wait_dma2 semaphore(%run_scoped3A_56 : memref<!tpu.dma_semaphore, #tpu.memory_space<semaphore_mem>>) src(%arg5 : memref<80x128xf32, #tpu.memory_space<hbm>>) dst(%dma_wait3A_72 : memref<80x128xf32, #tpu.memory_space<vmem>>)
      tpu.yield
    }) : () -> ()
    %barrier3A_44 = arith.constant 0 : index
    tpu.barrier barrier_id(%barrier3A_44)
    %scan3A_45 = arith.constant 0 : i32
    %scan3A_46 = arith.constant 25 : i32
    %scan3A_47 = arith.addi %scan3A_45, %scan3A_46 : i32
    %scan3A_48 = arith.constant 1 : i32
    scf.for %scan3A_56 = %scan3A_45 to %scan3A_47 step %scan3A_48  : i32 {
      %mul3A_57 = arith.constant 1 : i32
      %mul3A_58 = arith.muli %scan3A_56, %mul3A_57 : i32
      %add3A_59 = arith.constant 0 : i32
      %add3A_60 = arith.addi %add3A_59, %mul3A_58 : i32
      "tpu.region"() ({
        %run_scoped3A_181 = tpu.sem_alloc : memref<!tpu.dma_semaphore, #tpu.memory_space<semaphore_mem>>
        %dma_start3A_182 = arith.constant 0 : i32
        %dma_start3A_183 = arith.constant 0 : i32
        %dma_start3A_184 = tpu.memref_slice %arg3[%add3A, %add3A_60, %dma_start3A_182, %dma_start3A_183] : memref<32x25x5x80xi32, #tpu.memory_space<hbm>> -> memref<1x1x5x80xi32, #tpu.memory_space<hbm>>
        %dma_start3A_185 = tpu.memref_squeeze %dma_start3A_184 : memref<1x1x5x80xi32, #tpu.memory_space<hbm>> -> memref<5x80xi32, #tpu.memory_space<hbm>>
        %dma_start3A_186 = arith.constant 0 : i32
        %dma_start3A_187 = arith.constant 0 : i32
        %dma_start3A_188 = tpu.memref_slice %arg3[%add3A, %add3A_60, %dma_start3A_186, %dma_start3A_187] : memref<32x25x5x80xi32, #tpu.memory_space<hbm>> -> memref<1x1x5x80xi32, #tpu.memory_space<hbm>>
        %dma_start3A_189 = tpu.memref_squeeze %dma_start3A_188 : memref<1x1x5x80xi32, #tpu.memory_space<hbm>> -> memref<5x80xi32, #tpu.memory_space<hbm>>
        tpu.enqueue_dma source(%dma_start3A_189 : memref<5x80xi32, #tpu.memory_space<hbm>>) target(%arg8 : memref<5x80xi32, #tpu.memory_space<vmem>>) target_semaphore(%run_scoped3A_181 : memref<!tpu.dma_semaphore, #tpu.memory_space<semaphore_mem>>)
        %dma_wait3A_190 = arith.constant 0 : i32
        %dma_wait3A_191 = arith.constant 0 : i32
        %dma_wait3A_192 = tpu.memref_slice %arg3[%add3A, %add3A_60, %dma_wait3A_190, %dma_wait3A_191] : memref<32x25x5x80xi32, #tpu.memory_space<hbm>> -> memref<1x1x5x80xi32, #tpu.memory_space<hbm>>
        %dma_wait3A_193 = tpu.memref_squeeze %dma_wait3A_192 : memref<1x1x5x80xi32, #tpu.memory_space<hbm>> -> memref<5x80xi32, #tpu.memory_space<hbm>>
        %dma_wait3A_194 = arith.constant 0 : i32
        %dma_wait3A_195 = arith.constant 0 : i32
        %dma_wait3A_196 = tpu.memref_slice %arg3[%add3A, %add3A_60, %dma_wait3A_194, %dma_wait3A_195] : memref<32x25x5x80xi32, #tpu.memory_space<hbm>> -> memref<1x1x5x80xi32, #tpu.memory_space<hbm>>
        %dma_wait3A_197 = tpu.memref_squeeze %dma_wait3A_196 : memref<1x1x5x80xi32, #tpu.memory_space<hbm>> -> memref<5x80xi32, #tpu.memory_space<hbm>>
        tpu.wait_dma2 semaphore(%run_scoped3A_181 : memref<!tpu.dma_semaphore, #tpu.memory_space<semaphore_mem>>) src(%dma_wait3A_197 : memref<5x80xi32, #tpu.memory_space<hbm>>) dst(%arg8 : memref<5x80xi32, #tpu.memory_space<vmem>>)
        tpu.yield
      }) : () -> ()
      %dma_start3A_61 = arith.constant 0 : i32
      %dma_start3A_62 = arith.constant 0 : i32
      %dma_start3A_63 = arith.constant 0 : i32
      %dma_start3A_64 = arith.constant 0 : i32
      %dma_start3A_65 = tpu.memref_slice %arg9[%dma_start3A_61, %dma_start3A_63, %dma_start3A_64] : memref<2x80x128xf32, #tpu.memory_space<vmem>> -> memref<1x80x128xf32, #tpu.memory_space<vmem>>
      %dma_start3A_66 = tpu.memref_squeeze %dma_start3A_65 : memref<1x80x128xf32, #tpu.memory_space<vmem>> -> memref<80x128xf32, #tpu.memory_space<vmem>>
      %dma_start3A_67 = arith.constant 0 : i32
      %dma_start3A_68 = tpu.memref_slice %arg8[%dma_start3A_62, %dma_start3A_67] : memref<5x80xi32, #tpu.memory_space<vmem>> -> memref<1x80xi32, #tpu.memory_space<vmem>>
      %dma_start3A_69 = tpu.memref_squeeze %dma_start3A_68 : memref<1x80xi32, #tpu.memory_space<vmem>> -> memref<80xi32, #tpu.memory_space<vmem>>
      %dma_start3A_70 = arith.constant 0 : i32
      %dma_start3A_71 = arith.constant 0 : i32
      %dma_start3A_72 = tpu.memref_slice %arg12[%dma_start3A_70, %dma_start3A_71] : memref<10240x128xf32, #tpu.memory_space<vmem_shared>> -> memref<10240x128xf32, #tpu.memory_space<vmem_shared>>
      tpu.enqueue_indirect_dma source(%dma_start3A_66 : memref<80x128xf32, #tpu.memory_space<vmem>>) target(%dma_start3A_72 : memref<10240x128xf32, #tpu.memory_space<vmem_shared>>) offsets(%dma_start3A_69 : memref<80xi32, #tpu.memory_space<vmem>>) semaphore(%arg11 : memref<!tpu.dma_semaphore, #tpu.memory_space<semaphore_mem>>) {add = true}
      %dma_start3A_73 = arith.constant 0 : i32
      %dma_start3A_74 = arith.constant 1 : i32
      %dma_start3A_75 = arith.constant 0 : i32
      %dma_start3A_76 = arith.constant 0 : i32
      %dma_start3A_77 = tpu.memref_slice %arg9[%dma_start3A_73, %dma_start3A_75, %dma_start3A_76] : memref<2x80x128xf32, #tpu.memory_space<vmem>> -> memref<1x80x128xf32, #tpu.memory_space<vmem>>
      %dma_start3A_78 = tpu.memref_squeeze %dma_start3A_77 : memref<1x80x128xf32, #tpu.memory_space<vmem>> -> memref<80x128xf32, #tpu.memory_space<vmem>>
      %dma_start3A_79 = arith.constant 0 : i32
      %dma_start3A_80 = tpu.memref_slice %arg8[%dma_start3A_74, %dma_start3A_79] : memref<5x80xi32, #tpu.memory_space<vmem>> -> memref<1x80xi32, #tpu.memory_space<vmem>>
      %dma_start3A_81 = tpu.memref_squeeze %dma_start3A_80 : memref<1x80xi32, #tpu.memory_space<vmem>> -> memref<80xi32, #tpu.memory_space<vmem>>
      %dma_start3A_82 = arith.constant 0 : i32
      %dma_start3A_83 = arith.constant 0 : i32
      %dma_start3A_84 = tpu.memref_slice %arg12[%dma_start3A_82, %dma_start3A_83] : memref<10240x128xf32, #tpu.memory_space<vmem_shared>> -> memref<10240x128xf32, #tpu.memory_space<vmem_shared>>
      tpu.enqueue_indirect_dma source(%dma_start3A_78 : memref<80x128xf32, #tpu.memory_space<vmem>>) target(%dma_start3A_84 : memref<10240x128xf32, #tpu.memory_space<vmem_shared>>) offsets(%dma_start3A_81 : memref<80xi32, #tpu.memory_space<vmem>>) semaphore(%arg11 : memref<!tpu.dma_semaphore, #tpu.memory_space<semaphore_mem>>) {add = true}
      %dma_start3A_85 = arith.constant 0 : i32
      %dma_start3A_86 = arith.constant 2 : i32
      %dma_start3A_87 = arith.constant 0 : i32
      %dma_start3A_88 = arith.constant 0 : i32
      %dma_start3A_89 = tpu.memref_slice %arg9[%dma_start3A_85, %dma_start3A_87, %dma_start3A_88] : memref<2x80x128xf32, #tpu.memory_space<vmem>> -> memref<1x80x128xf32, #tpu.memory_space<vmem>>
      %dma_start3A_90 = tpu.memref_squeeze %dma_start3A_89 : memref<1x80x128xf32, #tpu.memory_space<vmem>> -> memref<80x128xf32, #tpu.memory_space<vmem>>
      %dma_start3A_91 = arith.constant 0 : i32
      %dma_start3A_92 = tpu.memref_slice %arg8[%dma_start3A_86, %dma_start3A_91] : memref<5x80xi32, #tpu.memory_space<vmem>> -> memref<1x80xi32, #tpu.memory_space<vmem>>
      %dma_start3A_93 = tpu.memref_squeeze %dma_start3A_92 : memref<1x80xi32, #tpu.memory_space<vmem>> -> memref<80xi32, #tpu.memory_space<vmem>>
      %dma_start3A_94 = arith.constant 0 : i32
      %dma_start3A_95 = arith.constant 0 : i32
      %dma_start3A_96 = tpu.memref_slice %arg12[%dma_start3A_94, %dma_start3A_95] : memref<10240x128xf32, #tpu.memory_space<vmem_shared>> -> memref<10240x128xf32, #tpu.memory_space<vmem_shared>>
      tpu.enqueue_indirect_dma source(%dma_start3A_90 : memref<80x128xf32, #tpu.memory_space<vmem>>) target(%dma_start3A_96 : memref<10240x128xf32, #tpu.memory_space<vmem_shared>>) offsets(%dma_start3A_93 : memref<80xi32, #tpu.memory_space<vmem>>) semaphore(%arg11 : memref<!tpu.dma_semaphore, #tpu.memory_space<semaphore_mem>>) {add = true}
      %dma_start3A_97 = arith.constant 0 : i32
      %dma_start3A_98 = arith.constant 3 : i32
      %dma_start3A_99 = arith.constant 0 : i32
      %dma_start3A_100 = arith.constant 0 : i32
      %dma_start3A_101 = tpu.memref_slice %arg9[%dma_start3A_97, %dma_start3A_99, %dma_start3A_100] : memref<2x80x128xf32, #tpu.memory_space<vmem>> -> memref<1x80x128xf32, #tpu.memory_space<vmem>>
      %dma_start3A_102 = tpu.memref_squeeze %dma_start3A_101 : memref<1x80x128xf32, #tpu.memory_space<vmem>> -> memref<80x128xf32, #tpu.memory_space<vmem>>
      %dma_start3A_103 = arith.constant 0 : i32
      %dma_start3A_104 = tpu.memref_slice %arg8[%dma_start3A_98, %dma_start3A_103] : memref<5x80xi32, #tpu.memory_space<vmem>> -> memref<1x80xi32, #tpu.memory_space<vmem>>
      %dma_start3A_105 = tpu.memref_squeeze %dma_start3A_104 : memref<1x80xi32, #tpu.memory_space<vmem>> -> memref<80xi32, #tpu.memory_space<vmem>>
      %dma_start3A_106 = arith.constant 0 : i32
      %dma_start3A_107 = arith.constant 0 : i32
      %dma_start3A_108 = tpu.memref_slice %arg12[%dma_start3A_106, %dma_start3A_107] : memref<10240x128xf32, #tpu.memory_space<vmem_shared>> -> memref<10240x128xf32, #tpu.memory_space<vmem_shared>>
      tpu.enqueue_indirect_dma source(%dma_start3A_102 : memref<80x128xf32, #tpu.memory_space<vmem>>) target(%dma_start3A_108 : memref<10240x128xf32, #tpu.memory_space<vmem_shared>>) offsets(%dma_start3A_105 : memref<80xi32, #tpu.memory_space<vmem>>) semaphore(%arg11 : memref<!tpu.dma_semaphore, #tpu.memory_space<semaphore_mem>>) {add = true}
      %dma_start3A_109 = arith.constant 0 : i32
      %dma_start3A_110 = arith.constant 4 : i32
      %dma_start3A_111 = arith.constant 0 : i32
      %dma_start3A_112 = arith.constant 0 : i32
      %dma_start3A_113 = tpu.memref_slice %arg9[%dma_start3A_109, %dma_start3A_111, %dma_start3A_112] : memref<2x80x128xf32, #tpu.memory_space<vmem>> -> memref<1x80x128xf32, #tpu.memory_space<vmem>>
      %dma_start3A_114 = tpu.memref_squeeze %dma_start3A_113 : memref<1x80x128xf32, #tpu.memory_space<vmem>> -> memref<80x128xf32, #tpu.memory_space<vmem>>
      %dma_start3A_115 = arith.constant 0 : i32
      %dma_start3A_116 = tpu.memref_slice %arg8[%dma_start3A_110, %dma_start3A_115] : memref<5x80xi32, #tpu.memory_space<vmem>> -> memref<1x80xi32, #tpu.memory_space<vmem>>
      %dma_start3A_117 = tpu.memref_squeeze %dma_start3A_116 : memref<1x80xi32, #tpu.memory_space<vmem>> -> memref<80xi32, #tpu.memory_space<vmem>>
      %dma_start3A_118 = arith.constant 0 : i32
      %dma_start3A_119 = arith.constant 0 : i32
      %dma_start3A_120 = tpu.memref_slice %arg12[%dma_start3A_118, %dma_start3A_119] : memref<10240x128xf32, #tpu.memory_space<vmem_shared>> -> memref<10240x128xf32, #tpu.memory_space<vmem_shared>>
      tpu.enqueue_indirect_dma source(%dma_start3A_114 : memref<80x128xf32, #tpu.memory_space<vmem>>) target(%dma_start3A_120 : memref<10240x128xf32, #tpu.memory_space<vmem_shared>>) offsets(%dma_start3A_117 : memref<80xi32, #tpu.memory_space<vmem>>) semaphore(%arg11 : memref<!tpu.dma_semaphore, #tpu.memory_space<semaphore_mem>>) {add = true}
      %dma_wait3A_121 = arith.constant 0 : i32
      %dma_wait3A_122 = arith.constant 0 : i32
      %dma_wait3A_123 = arith.constant 0 : i32
      %dma_wait3A_124 = arith.constant 0 : i32
      %dma_wait3A_125 = tpu.memref_slice %arg9[%dma_wait3A_121, %dma_wait3A_123, %dma_wait3A_124] : memref<2x80x128xf32, #tpu.memory_space<vmem>> -> memref<1x80x128xf32, #tpu.memory_space<vmem>>
      %dma_wait3A_126 = tpu.memref_squeeze %dma_wait3A_125 : memref<1x80x128xf32, #tpu.memory_space<vmem>> -> memref<80x128xf32, #tpu.memory_space<vmem>>
      %dma_wait3A_127 = arith.constant 0 : i32
      %dma_wait3A_128 = tpu.memref_slice %arg8[%dma_wait3A_122, %dma_wait3A_127] : memref<5x80xi32, #tpu.memory_space<vmem>> -> memref<1x80xi32, #tpu.memory_space<vmem>>
      %dma_wait3A_129 = tpu.memref_squeeze %dma_wait3A_128 : memref<1x80xi32, #tpu.memory_space<vmem>> -> memref<80xi32, #tpu.memory_space<vmem>>
      %dma_wait3A_130 = arith.constant 0 : i32
      %dma_wait3A_131 = arith.constant 0 : i32
      %dma_wait3A_132 = tpu.memref_slice %arg12[%dma_wait3A_130, %dma_wait3A_131] : memref<10240x128xf32, #tpu.memory_space<vmem_shared>> -> memref<10240x128xf32, #tpu.memory_space<vmem_shared>>
      tpu.wait_indirect_dma semaphore(%arg11 : memref<!tpu.dma_semaphore, #tpu.memory_space<semaphore_mem>>) src(%dma_wait3A_126 : memref<80x128xf32, #tpu.memory_space<vmem>>) dst(%dma_wait3A_132 : memref<10240x128xf32, #tpu.memory_space<vmem_shared>>)
      %dma_wait3A_133 = arith.constant 0 : i32
      %dma_wait3A_134 = arith.constant 1 : i32
      %dma_wait3A_135 = arith.constant 0 : i32
      %dma_wait3A_136 = arith.constant 0 : i32
      %dma_wait3A_137 = tpu.memref_slice %arg9[%dma_wait3A_133, %dma_wait3A_135, %dma_wait3A_136] : memref<2x80x128xf32, #tpu.memory_space<vmem>> -> memref<1x80x128xf32, #tpu.memory_space<vmem>>
      %dma_wait3A_138 = tpu.memref_squeeze %dma_wait3A_137 : memref<1x80x128xf32, #tpu.memory_space<vmem>> -> memref<80x128xf32, #tpu.memory_space<vmem>>
      %dma_wait3A_139 = arith.constant 0 : i32
      %dma_wait3A_140 = tpu.memref_slice %arg8[%dma_wait3A_134, %dma_wait3A_139] : memref<5x80xi32, #tpu.memory_space<vmem>> -> memref<1x80xi32, #tpu.memory_space<vmem>>
      %dma_wait3A_141 = tpu.memref_squeeze %dma_wait3A_140 : memref<1x80xi32, #tpu.memory_space<vmem>> -> memref<80xi32, #tpu.memory_space<vmem>>
      %dma_wait3A_142 = arith.constant 0 : i32
      %dma_wait3A_143 = arith.constant 0 : i32
      %dma_wait3A_144 = tpu.memref_slice %arg12[%dma_wait3A_142, %dma_wait3A_143] : memref<10240x128xf32, #tpu.memory_space<vmem_shared>> -> memref<10240x128xf32, #tpu.memory_space<vmem_shared>>
      tpu.wait_indirect_dma semaphore(%arg11 : memref<!tpu.dma_semaphore, #tpu.memory_space<semaphore_mem>>) src(%dma_wait3A_138 : memref<80x128xf32, #tpu.memory_space<vmem>>) dst(%dma_wait3A_144 : memref<10240x128xf32, #tpu.memory_space<vmem_shared>>)
      %dma_wait3A_145 = arith.constant 0 : i32
      %dma_wait3A_146 = arith.constant 2 : i32
      %dma_wait3A_147 = arith.constant 0 : i32
      %dma_wait3A_148 = arith.constant 0 : i32
      %dma_wait3A_149 = tpu.memref_slice %arg9[%dma_wait3A_145, %dma_wait3A_147, %dma_wait3A_148] : memref<2x80x128xf32, #tpu.memory_space<vmem>> -> memref<1x80x128xf32, #tpu.memory_space<vmem>>
      %dma_wait3A_150 = tpu.memref_squeeze %dma_wait3A_149 : memref<1x80x128xf32, #tpu.memory_space<vmem>> -> memref<80x128xf32, #tpu.memory_space<vmem>>
      %dma_wait3A_151 = arith.constant 0 : i32
      %dma_wait3A_152 = tpu.memref_slice %arg8[%dma_wait3A_146, %dma_wait3A_151] : memref<5x80xi32, #tpu.memory_space<vmem>> -> memref<1x80xi32, #tpu.memory_space<vmem>>
      %dma_wait3A_153 = tpu.memref_squeeze %dma_wait3A_152 : memref<1x80xi32, #tpu.memory_space<vmem>> -> memref<80xi32, #tpu.memory_space<vmem>>
      %dma_wait3A_154 = arith.constant 0 : i32
      %dma_wait3A_155 = arith.constant 0 : i32
      %dma_wait3A_156 = tpu.memref_slice %arg12[%dma_wait3A_154, %dma_wait3A_155] : memref<10240x128xf32, #tpu.memory_space<vmem_shared>> -> memref<10240x128xf32, #tpu.memory_space<vmem_shared>>
      tpu.wait_indirect_dma semaphore(%arg11 : memref<!tpu.dma_semaphore, #tpu.memory_space<semaphore_mem>>) src(%dma_wait3A_150 : memref<80x128xf32, #tpu.memory_space<vmem>>) dst(%dma_wait3A_156 : memref<10240x128xf32, #tpu.memory_space<vmem_shared>>)
      %dma_wait3A_157 = arith.constant 0 : i32
      %dma_wait3A_158 = arith.constant 3 : i32
      %dma_wait3A_159 = arith.constant 0 : i32
      %dma_wait3A_160 = arith.constant 0 : i32
      %dma_wait3A_161 = tpu.memref_slice %arg9[%dma_wait3A_157, %dma_wait3A_159, %dma_wait3A_160] : memref<2x80x128xf32, #tpu.memory_space<vmem>> -> memref<1x80x128xf32, #tpu.memory_space<vmem>>
      %dma_wait3A_162 = tpu.memref_squeeze %dma_wait3A_161 : memref<1x80x128xf32, #tpu.memory_space<vmem>> -> memref<80x128xf32, #tpu.memory_space<vmem>>
      %dma_wait3A_163 = arith.constant 0 : i32
      %dma_wait3A_164 = tpu.memref_slice %arg8[%dma_wait3A_158, %dma_wait3A_163] : memref<5x80xi32, #tpu.memory_space<vmem>> -> memref<1x80xi32, #tpu.memory_space<vmem>>
      %dma_wait3A_165 = tpu.memref_squeeze %dma_wait3A_164 : memref<1x80xi32, #tpu.memory_space<vmem>> -> memref<80xi32, #tpu.memory_space<vmem>>
      %dma_wait3A_166 = arith.constant 0 : i32
      %dma_wait3A_167 = arith.constant 0 : i32
      %dma_wait3A_168 = tpu.memref_slice %arg12[%dma_wait3A_166, %dma_wait3A_167] : memref<10240x128xf32, #tpu.memory_space<vmem_shared>> -> memref<10240x128xf32, #tpu.memory_space<vmem_shared>>
      tpu.wait_indirect_dma semaphore(%arg11 : memref<!tpu.dma_semaphore, #tpu.memory_space<semaphore_mem>>) src(%dma_wait3A_162 : memref<80x128xf32, #tpu.memory_space<vmem>>) dst(%dma_wait3A_168 : memref<10240x128xf32, #tpu.memory_space<vmem_shared>>)
      %dma_wait3A_169 = arith.constant 0 : i32
      %dma_wait3A_170 = arith.constant 4 : i32
      %dma_wait3A_171 = arith.constant 0 : i32
      %dma_wait3A_172 = arith.constant 0 : i32
      %dma_wait3A_173 = tpu.memref_slice %arg9[%dma_wait3A_169, %dma_wait3A_171, %dma_wait3A_172] : memref<2x80x128xf32, #tpu.memory_space<vmem>> -> memref<1x80x128xf32, #tpu.memory_space<vmem>>
      %dma_wait3A_174 = tpu.memref_squeeze %dma_wait3A_173 : memref<1x80x128xf32, #tpu.memory_space<vmem>> -> memref<80x128xf32, #tpu.memory_space<vmem>>
      %dma_wait3A_175 = arith.constant 0 : i32
      %dma_wait3A_176 = tpu.memref_slice %arg8[%dma_wait3A_170, %dma_wait3A_175] : memref<5x80xi32, #tpu.memory_space<vmem>> -> memref<1x80xi32, #tpu.memory_space<vmem>>
      %dma_wait3A_177 = tpu.memref_squeeze %dma_wait3A_176 : memref<1x80xi32, #tpu.memory_space<vmem>> -> memref<80xi32, #tpu.memory_space<vmem>>
      %dma_wait3A_178 = arith.constant 0 : i32
      %dma_wait3A_179 = arith.constant 0 : i32
      %dma_wait3A_180 = tpu.memref_slice %arg12[%dma_wait3A_178, %dma_wait3A_179] : memref<10240x128xf32, #tpu.memory_space<vmem_shared>> -> memref<10240x128xf32, #tpu.memory_space<vmem_shared>>
      tpu.wait_indirect_dma semaphore(%arg11 : memref<!tpu.dma_semaphore, #tpu.memory_space<semaphore_mem>>) src(%dma_wait3A_174 : memref<80x128xf32, #tpu.memory_space<vmem>>) dst(%dma_wait3A_180 : memref<10240x128xf32, #tpu.memory_space<vmem_shared>>)
    }
    %scan3A_49 = arith.constant 25 : i32
    %barrier3A_50 = arith.constant 0 : index
    tpu.barrier barrier_id(%barrier3A_50)
    %eq3A_51 = arith.constant 0 : i32
    %eq3A_52 = arith.cmpi eq, %arg1, %eq3A_51 : i32
    %convert_element_type3A_53 = arith.extui %eq3A_52 : i1 to i32
    %cond3A_54 = arith.constant 0 : i32
    %cond3A_55 = arith.cmpi ne, %convert_element_type3A_53, %cond3A_54 : i32
    scf.if %cond3A_55 {
      "tpu.region"() ({
        %run_scoped3A_56 = tpu.sem_alloc : memref<!tpu.dma_semaphore, #tpu.memory_space<semaphore_mem>>
        %dma_start3A_57 = arith.constant 0 : i32
        %dma_start3A_58 = arith.constant 0 : i32
        %dma_start3A_59 = tpu.memref_slice %arg7[%arg0, %dma_start3A_57, %dma_start3A_58] : memref<2x10240x128xf32, #tpu.memory_space<hbm>> -> memref<1x10240x128xf32, #tpu.memory_space<hbm>>
        %dma_start3A_60 = tpu.memref_squeeze %dma_start3A_59 : memref<1x10240x128xf32, #tpu.memory_space<hbm>> -> memref<10240x128xf32, #tpu.memory_space<hbm>>
        tpu.enqueue_dma source(%arg12 : memref<10240x128xf32, #tpu.memory_space<vmem_shared>>) target(%dma_start3A_60 : memref<10240x128xf32, #tpu.memory_space<hbm>>) target_semaphore(%run_scoped3A_56 : memref<!tpu.dma_semaphore, #tpu.memory_space<semaphore_mem>>)
        %dma_wait3A_61 = arith.constant 0 : i32
        %dma_wait3A_62 = arith.constant 0 : i32
        %dma_wait3A_63 = tpu.memref_slice %arg7[%arg0, %dma_wait3A_61, %dma_wait3A_62] : memref<2x10240x128xf32, #tpu.memory_space<hbm>> -> memref<1x10240x128xf32, #tpu.memory_space<hbm>>
        %dma_wait3A_64 = tpu.memref_squeeze %dma_wait3A_63 : memref<1x10240x128xf32, #tpu.memory_space<hbm>> -> memref<10240x128xf32, #tpu.memory_space<hbm>>
        tpu.wait_dma2 semaphore(%run_scoped3A_56 : memref<!tpu.dma_semaphore, #tpu.memory_space<semaphore_mem>>) src(%arg12 : memref<10240x128xf32, #tpu.memory_space<vmem_shared>>) dst(%dma_wait3A_64 : memref<10240x128xf32, #tpu.memory_space<hbm>>)
        tpu.yield
      }) : () -> ()
    } else {
    }
    return
  }
}

module attributes {stable_mosaic.version = 14 : i64} {
  func.func @_combine_body(%arg0: memref<10240x128xf32, #tpu.memory_space<vmem>>, %arg1: memref<10240x128xf32, #tpu.memory_space<vmem>>, %arg2: memref<10240x128xf32, #tpu.memory_space<vmem>>, %arg3: memref<10240x128xf32, #tpu.memory_space<vmem>>, %arg4: memref<10240x128xf32, #tpu.memory_space<vmem>>) attributes {dimension_semantics = [], scalar_prefetch = 0 : i64, scratch_operands = 0 : i64, tpu.core_type = #tpu.core_type<tc>} {
    %get3A = arith.constant 0 : index
    %get3A_0 = arith.constant 0 : index
    %get3A_1 = vector.load %arg2[%get3A, %get3A_0] : memref<10240x128xf32, #tpu.memory_space<vmem>>, vector<10240x1xf32>
    %get3A_2 = arith.constant 0 : index
    %get3A_3 = arith.constant 0 : index
    %get3A_4 = vector.load %arg3[%get3A_2, %get3A_3] : memref<10240x128xf32, #tpu.memory_space<vmem>>, vector<10240x1xf32>
    %add3A = arith.addf %get3A_1, %get3A_4 : vector<10240x1xf32>
    %get3A_5 = arith.constant 0 : index
    %get3A_6 = arith.constant 0 : index
    %get3A_7 = vector.load %arg0[%get3A_5, %get3A_6] : memref<10240x128xf32, #tpu.memory_space<vmem>>, vector<10240x128xf32>
    %get3A_8 = arith.constant 0 : index
    %get3A_9 = arith.constant 0 : index
    %get3A_10 = vector.load %arg1[%get3A_8, %get3A_9] : memref<10240x128xf32, #tpu.memory_space<vmem>>, vector<10240x128xf32>
    %add3A_11 = arith.addf %get3A_7, %get3A_10 : vector<10240x128xf32>
    %add3A_12 = arith.constant 9.99999971E-10 : f32
    %add3A_13 = vector.broadcast %add3A_12 : f32 to vector<10240x1xf32>
    %add3A_14 = arith.addf %add3A, %add3A_13 : vector<10240x1xf32>
    %div3A = vector.broadcast %add3A_14 : vector<10240x1xf32> to vector<10240x128xf32>
    %div3A_15 = arith.divf %add3A_11, %div3A : vector<10240x128xf32>
    %swap3A = arith.constant 0 : index
    %swap3A_16 = arith.constant 0 : index
    %swap3A_17 = vector.load %arg4[%swap3A, %swap3A_16] : memref<10240x128xf32, #tpu.memory_space<vmem>>, vector<10240x128xf32>
    tpu.vector_store %arg4[%swap3A, %swap3A_16], %div3A_15 {strides = array<i32>} : memref<10240x128xf32, #tpu.memory_space<vmem>>, vector<10240x128xf32>,
    return
  }
}

</mosaic_0001>

<sc_bundles>
// kernel: kernel.5.cloned.1.call-start
scs
__scs_entry_jumppad:
0x0: {  	(pc) =	sbr.rel $0x88, $3  }
0x1: {  	(tag) =	ssettag $0x0;
	lr =	simm.s32 $0x1  }
0x2: {  	[smem:$0x3F9F] =	sst lr;
	_ =	strace $0xD0000000  }
0x3: {  	_ = 	snop  }
0x4: {  	_ = 	snop  }
0x5: {  	_ = 	snop  }
0x6: {  	_ = 	snop  }
0x7: {  	_ = 	snop  }
__scs_overlays_trampoline_lowered:
0x8: {  	[smem:$0x3FAE] =	sst s0  }
0x9: {  	[smem:$0x3FAF] =	sst s1  }
0xa: {  	[smem:$0x3FB0] =	sst s2  }
0xb: {  	[smem:$0x3FB1] =	sst s3  }
0xc: {  	[smem:$0x3FB2] =	sst s4  }
0xd: {  	[smem:$0x3FB3] =	sst s5  }
0xe: {  	[smem:$0x3FB4] =	sst s6  }
0xf: {  	[smem:$0x3FB5] =	sst s7  }
0x10: {  	[smem:$0x3FB6] =	sst s8  }
0x11: {  	[smem:$0x3FB7] =	sst s9;
	s0 =	simm.s32 @!p0 $0x0  }
0x12: {  	s1 =	sld [smem:$0x3F9D];
	s0 =	simm.s32 @p0 $0x1  }
0x13: {  	[smem:$0x3FB8] =	sst s0;
	s0 =	simm.s32 @!p1 $0x0  }
0x14: {  	s2 =	sld [smem:$0x3F9C];
	s0 =	simm.s32 @p1 $0x1  }
0x15: {  	[smem:$0x3FB9] =	sst s0;
	s0 =	simm.s32 @!p2 $0x0  }
0x16: {  	s3 =	sld [smem:$0x3FDB];
	s0 =	simm.s32 @p2 $0x1  }
0x17: {  	s4 =	simm.s32 $0x1BF5;
	[smem:$0x3FBB] =	sst s0  }
0x18: {  	s0 =	sld [smem:$0x3F9E];
	_ =	swait.ge [sflag:s4], $0x0  }
0x19: {  	s7 =	sld [smem:$0x3F9F]  }
0x1a: {  	s8 =	sadd.s32 $0xFFFFE003, lr  }
0x1b: {  	s9 =	sadd.s32 $0xFFFFFEF7, lr;
	s5 =	simm.s32 $0xFFFFFFFF;
	p2 =	slt.u32 s8, $0xFFFFF086  }
0x1c: {  	p1 =	slt.u32 s9, $0xF7A;
	s5 =	simm.s32 @!p2 $0x0  }
0x1d: {  	s5 =	simm.s32 @p1 $0x1;
	p0 =	seq.s32 s7, s2  }
0x1e: {  	s7 =	smul.u32 @!p0 $0xF7A, s2;
	p2 =	seq.s32 @!p0 s5, $0x0  }
0x1f: {  	s9 =	smul.u32 $0xF7A, s1;
	s8 =	simm.s32 @!p0 $0x1BF5;
	p2 =	por !p2, p0  }
0x20: {  	[sflag:s8] =	ssyncset.s32 @!p0 $0xFFFFF086;
	s6 =	sadd.s32 @!p0 s3, s7;
	s7 =	simm.s32 @!p0 $0x108  }
0x21: {  	s3 =	sadd.s32 s3, s9;
	s6 =	sadd.s32 @!p0 $0x88, s6;
	s7 =	simm.s32 @p2 $0x1082  }
0x22: {  	[simem:s7], [sflag:s8] =	dma.local @!p0 [hbm:s6], $0xF7A  }
0x23: {  	s9 =	sor.u32 $0xD0000000, s2;
	s6 =	simm.s32 $0x108;
	_ =	swait.ge @!p0 [sflag:s8], $0x0  }
0x24: {  	s3 =	sadd.s32 $0x88, s3;
	s6 =	simm.s32 @!p1 $0x1082;
	[sflag:s4] =	ssyncset.s32 $0xFFFFF086  }
0x25: {  	[simem:s6], [sflag:s4] =	dma.local [hbm:s3], $0xF7A  }
0x26: {  	[smem:$0x3F9F] =	sst s1;
	(tag) =	ssettag s2;
	_ =	strace s9  }
0x27: {  	s1 =	sld [smem:$0x3FAF]  }
0x28: {  	s2 =	sld [smem:$0x3FB0]  }
0x29: {  	s4 =	sld [smem:$0x3FB2]  }
0x2a: {  	p0 =	seq.s32 s5, $0x0;
	s5 =	sld [smem:$0x3FB3]  }
0x2b: {  	s6 =	sld [smem:$0x3FB4]  }
0x2c: {  	s7 =	sld [smem:$0x3FB5]  }
0x2d: {  	s3 =	simm.s32 $0x108;
	s8 =	sld [smem:$0x3FB6]  }
0x2e: {  	s3 =	simm.s32 @!p0 $0x1082;
	s9 =	sld [smem:$0x3FB7]  }
0x2f: {  	lr =	sadd.s32 s0, s3;
	s0 =	sld [smem:$0x3FAE]  }
0x30: {  	s3 =	sld [smem:$0x3FB1]  }
0x31: {  	[smem:$0x3FBA] =	sst s10  }
0x32: {  	s10 =	sld [smem:$0x3FB8];
	_ =	sdelay $0x3  }
0x33: {  	p0 =	seq.s32 s10, $0x1;
	s10 =	sld [smem:$0x3FBA];
	_ =	sdelay $0x3  }
0x34: {  	[smem:$0x3FBA] =	sst s10  }
0x35: {  	s10 =	sld [smem:$0x3FB9];
	_ =	sdelay $0x3  }
0x36: {  	p1 =	seq.s32 s10, $0x1;
	s10 =	sld [smem:$0x3FBA];
	_ =	sdelay $0x3  }
0x37: {  	[smem:$0x3FBA] =	sst s10  }
0x38: {  	s10 =	sld [smem:$0x3FBB]  }
0x39: {  	_ = 	snop;
	(pc) =	sbr.ind lr, $3  }
0x3a: {  	_ = 	snop  }
0x3b: {  	_ = 	snop  }
0x3c: {  	p2 =	seq.s32 s10, $0x1;
	s10 =	sld [smem:$0x3FBA]  }
0x3d: {  	_ =	shalt  }
0x3e: {  	_ =	shalt  }
0x3f: {  	_ =	shalt  }
0x40: {  	_ =	shalt  }
0x41: {  	_ =	shalt  }
0x42: {  	_ =	shalt  }
0x43: {  	_ =	shalt  }
0x44: {  	_ =	shalt  }
0x45: {  	_ =	shalt  }
0x46: {  	_ =	shalt  }
0x47: {  	_ =	shalt  }
0x48: {  	_ =	shalt  }
0x49: {  	_ =	shalt  }
0x4a: {  	_ =	shalt  }
0x4b: {  	_ =	shalt  }
0x4c: {  	_ =	shalt  }
0x4d: {  	_ =	shalt  }
0x4e: {  	_ =	shalt  }
0x4f: {  	_ =	shalt  }
0x50: {  	_ =	shalt  }
0x51: {  	_ =	shalt  }
0x52: {  	_ =	shalt  }
0x53: {  	_ =	shalt  }
0x54: {  	_ =	shalt  }
0x55: {  	_ =	shalt  }
0x56: {  	_ =	shalt  }
0x57: {  	_ =	shalt  }
0x58: {  	_ =	shalt  }
0x59: {  	_ =	shalt  }
0x5a: {  	_ =	shalt  }
0x5b: {  	_ =	shalt  }
0x5c: {  	_ =	shalt  }
0x5d: {  	_ =	shalt  }
0x5e: {  	_ =	shalt  }
0x5f: {  	_ =	shalt  }
0x60: {  	_ =	shalt  }
0x61: {  	_ =	shalt  }
0x62: {  	_ =	shalt  }
0x63: {  	_ =	shalt  }
0x64: {  	_ =	shalt  }
0x65: {  	_ =	shalt  }
0x66: {  	_ =	shalt  }
0x67: {  	_ =	shalt  }
0x68: {  	_ =	shalt  }
0x69: {  	_ =	shalt  }
0x6a: {  	_ =	shalt  }
0x6b: {  	_ =	shalt  }
0x6c: {  	_ =	shalt  }
0x6d: {  	_ =	shalt  }
0x6e: {  	_ =	shalt  }
0x6f: {  	_ =	shalt  }
0x70: {  	_ =	shalt  }
0x71: {  	_ =	shalt  }
0x72: {  	_ =	shalt  }
0x73: {  	_ =	shalt  }
0x74: {  	_ =	shalt  }
0x75: {  	_ =	shalt  }
0x76: {  	_ =	shalt  }
0x77: {  	_ =	shalt  }
0x78: {  	_ =	shalt  }
0x79: {  	_ =	shalt  }
0x7a: {  	_ =	shalt  }
0x7b: {  	_ =	shalt  }
0x7c: {  	_ =	shalt  }
0x7d: {  	_ =	shalt  }
0x7e: {  	_ =	shalt  }
0x7f: {  	_ =	shalt  }
0x80: {  	_ =	shalt  }
0x81: {  	_ =	shalt  }
0x82: {  	_ =	shalt  }
0x83: {  	_ =	shalt  }
0x84: {  	_ =	shalt  }
0x85: {  	_ =	shalt  }
0x86: {  	_ =	shalt  }
0x87: {  	_ =	shalt  }
.Lfunc_end0:
.L_simem_size_0:
called_computation_lowered:
.L_overlay_start_0:
0x88: {  	s2 =	sld [smem:$0x3FD9]  }
0x89: {  	s3 =	sld [smem:$0x3FFE];
	_ =	sdelay $0x1  }
0x8a: {  	s1 =	srdreg.scid  }
0x8b: {  	s0 =	sand.u32 $0x1, s1  }
0x8c: {  	s17 =	sshll.u32 s0, $0xA;
	s2 =	sadd.s32 s3, s2  }
0x8d: {  	s2 =	sadd.s32 s2, s17  }
0x8e: {  	[smem:$0x3FC6] =	sst s2  }
0x8f: {  	_ = 	snop  }
0x90: {  	s2 =	sld [smem:$0x3FC9]  }
0x91: {  	s18 =	sld [smem:$0x3FD0];
	(tm) =	ssettm $0x1  }
0x92: {  	s4 =	sld [smem:$0x3FFB];
	_ =	sdelay $0x3  }
0x93: {  	_ =	strace s4  }
0x94: {  	s4 =	sld [smem:$0x3FFC];
	_ =	sdelay $0x3  }
0x95: {  	_ =	strace s4  }
0x96: {  	s4 =	sld [smem:$0x3FFD];
	_ =	sdelay $0x3  }
0x97: {  	_ =	strace s4  }
0x98: {  	_ =	strace $0x8FFFFFFF  }
0x99: {  	s19 =	sld [smem:$0x3FDB];
	_ =	sdelay $0x1  }
0x9a: {  	s5 =	simm.s32 $_scs_section_size  }
0x9b: {  	s6 =	simm.s32 $_size__tile_overlayer_lowered;
	s7 =	simm.s32 $_tile_overlayer_lowered  }
0x9c: {  	s22 =	simm.s32 $0x1BFF;
	s21 =	sshll.u32 s7, $0x1;
	s4 =	sadd.s32 s5, s19  }
0x9d: {  	s8 =	simm.s32 $0x0;
	s20 =	sshll.u32 s6, $0x1;
	s6 =	sadd.s32 s21, s4  }
0x9e: {  	[timem:s8], [sflag:s22] =	dma.local [hbm:s6], s20  }
0x9f: {  	_ =	swait.ge [sflag:s22], s20  }
0xa0: {  	s5 =	ssub.s32 $0x0, s20;
	[sflag:s22] =	ssyncset.done $0x0  }
0xa1: {  	[sflag:s22] =	ssyncadd.s32 s5;
	_ =	sdelay $0x1  }
0xa2: {  	s23 =	simm.s32 $0x1B8B  }
0xa3: {  	_ =	swait.ge [sflag:s23], $0x1  }
0xa4: {  	[sflag:s23] =	ssyncset.done $0x0  }
0xa5: {  	s25 =	simm.s32 $0x1B8E;
	s24 =	sld [smem:$0x3FFE];
	[sflag:s23] =	ssyncadd.s32 $0xFFFFFFFF  }
0xa6: {  	s26 =	simm.s32 $execute0_lowered;
	[smem:$0x3FD2] =	sst s25  }
0xa7: {  	s6 =	sshll.u32 s26, $0x1;
	_ =	strace $0x80000046;
	[dreg:$0x1] =	wrdreg $0xFFFFFFFF  }
0xa8: {  	s28 =	simm.s32 $_size_execute0_lowered;
	s4 =	sadd.s32 s4, s6;
	[dreg:$0x0] =	wrdreg $0x0  }
0xa9: {  	s6 =	sshll.u32 s28, $0x1;
	[dreg:$0x2] =	wrdreg s4  }
0xaa: {  	[dreg:$0x3] =	wrdreg s6  }
0xab: {  	[dreg:$0x4] =	wrdreg $0xC0  }
0xac: {  	_ =	task [dreg:s8], $0x5FFFF  }
0xad: {  	[dreg:$0x1] =	wrdreg $0xFFFFFFFF  }
0xae: {  	[dreg:$0x0] =	wrdreg $0x60  }
0xaf: {  	[dreg:$0x2] =	wrdreg s2  }
0xb0: {  	[dreg:$0x3] =	wrdreg s24  }
0xb1: {  	[dreg:$0x4] =	wrdreg s18  }
0xb2: {  	[dreg:$0x5] =	wrdreg $0x54000  }
0xb3: {  	[dreg:$0x6] =	wrdreg $0x9  }
0xb4: {  	_ =	task.clear_ibuf [dreg:s8], $0x7FFFF;
	_ =	strace $0x90000046  }
0xb5: {  	s29 =	simm.s32 $0x9;
	_ =	strace $0x80000048  }
0xb6: {  	_ =	swait.ge [sflag:s29], $0x1  }
0xb7: {  	[sflag:s29] =	ssyncadd.s32 $0xFFFFFFFF  }
0xb8: {  	_ =	strace $0x90000048  }
0xb9: {  	_ =	sfence  }
0xba: {  	s30 =	sld [smem:$0x0];
	_ =	sdelay $0x2  }
0xbb: {  	s31 =	sshll.u32 s1, $0xD;
	s1 =	sshrl.u32 s1, $0x2  }
0xbc: {  	s3 =	sand.u32 $0x4000, s31;
	s1 =	sadd.s32 s1, s30  }
0xbd: {  	s0 =	sor.u32 s3, s0;
	s1 =	sshll.u32 s1, $0x11  }
0xbe: {  	s0 =	sor.u32 s1, s0  }
0xbf: {  	s0 =	sadd.s32 $0x8F2B, s0  }
0xc0: {  	[sflag:s0] =	ssyncadd.remote.s32 $0x1  }
0xc1: {  	_ =	sfence.sel $0xFFFF  }
0xc2: {  	[dreg:$0x0] =	wrdreg $0xFFFFFFFF;
	(pc) =	sbr.abs _section_cstart, $3  }
0xc3: {  	[dreg:$0x1] =	wrdreg $0xFFFFFFFF  }
0xc4: {  	_ =	task.clear_ibuf [dreg:s8], $0x2FFFF;
	_ =	strace $0x9FFFFFFF  }
0xc5: {  	(tm) =	ssettm $0x7FFFFFFF  }
tec
execute0_lowered:
.L_overlay_start_1:
0x0: {  	(tag) =	ssettag $0x1  }
0x1: {  	s0 =	rddreg [dreg:$0x0]  }
0x2: {  	s6 =	rddreg [dreg:$0x1]  }
0x3: {  	s7 =	rddreg [dreg:$0x2]  }
0x4: {  	s1 =	srdreg.scid;
	s11 =	stileid.u32  }
0x5: {  	s2 =	rddreg [dreg:$0x3];
	s3 =	simm.s32 $0x0;
	s17 =	simm.s32 $0x100  }
0x6: {  	s18 =	simm.s32 $0x180;
	s19 =	simm.s32 $0x200;
	s4 =	smul.u32 $0xC800, s11  }
0x7: {  	s20 =	simm.s32 $0x2;
	s8 =	sand.u32 $0x1, s1;
	s29 =	smul.u32 $0x4E200, s11  }
0x8: {  	s21 =	simm.s32 $0x0;
	[smem:$0x7FF] =	sst s3;
	s5 =	smul.u32 $0x6400, s8  }
0x9: {  	s28 =	sshll.u32 s11, $0x1;
	p0 =	sne.s32 s11, $0x0;
	s9 =	smul.u32 $0x28000, s8  }
0xa: {  	_ =	strace $0x80000047;
	s12 =	ssub.s32 $0x2, s8;
	s30 =	smul.u32 $0x27100, s8  }
0xb: {  	s11 =	sshrl.u32 @!p0 s2, $0x3;
	s14 =	sshrl.u32 s12, $0x1;
	s31 =	sadd.s32 s29, s0  }
0xc: {  	s4 =	sadd.s32 s5, s4;
	s5 =	sor.u32 s8, s28;
	s16 =	sadd.s32 s9, s6  }
0xd: {  	s12 =	ssub.s32 s12, s14;
	s7 =	sadd.s32 s7, s9;
	s13 =	smul.u32 $0x2710, s5  }
0xe: {  	s14 =	simm.s32 $0x1;
	s4 =	sshrl.u32 s4, $0x3;
	s15 =	smul.u32 $0x27100, s5  }
0xf: {  	s5 =	sadd.s32 $0x1A000, s6;
	s8 =	sadd.s32 $0x42600, s16;
	s9 =	smax.u32 s12, $0x1  }
0x10: {  	s12 =	sadd.s32 s30, s31;
	s16 =	simm.s32 $0x80;
	s10 =	sadd.s32 s4, s6  }
0x11: {  	s4 =	sadd.s32 $0x1A600, s6;
	[dreg:$0x5] =	wrdreg s12;
	s12 =	simm.s32 $0x400  }
0x12: {  	s6 =	sadd.s32 s0, s15;
	s13 =	sadd.s32 $0x190, s13;
	s10 =	sadd.s32 $0x1000, s10  }
0x13: {  	s15 =	simm.s32 $0x50;
	[dreg:$0x6] =	wrdreg s13;
	s13 =	simm.s32 $0x3  }
.LBB2_1:
0x14: {  	s22 =	simm.s32 @!p0 $0x1C03  }
0x15: {  	[spmem:s11], [sflag:s22] =	dma.local @!p0 [hbm:s4], $0x28000  }
0x16: {  	s22 =	simm.s32 @!p0 $0x3  }
0x17: {  	_ =	swait.ge @!p0 [sflag:s22], $0x28000  }
0x18: {  	[sflag:s22] =	ssyncset.done @!p0 $0x0  }
0x19: {  	s26 =	simm.s32 $0x0;
	[sflag:s22] =	ssyncadd.s32 @!p0 $0xFFFD8000  }
0x1a: {  	s22 =	sand.u32 $0x1, s26;
	[bflag:$0x0] =	sbarrier.arrive $0xFFFF  }
0x1b: {  	[tilespmem:s12], [sflag:$0x1] =	stream.linear.gather [hbm4b:s6+s3], $0x2800, $0x38;
	[tilespmem:$0x19400] =	vst v63  }
0x1c: {  	s23 =	sxor.u32 $0x1, s22  }
0x1d: {  	[tilespmem:s3], [sflag:$0x3] =	stream.linear.gather [hbm4b:s10+s3], $0x280, $0x38;
	[tilespmem:$0x19400] =	vst v63  }
0x1e: {  	s23 =	smul.u32 $0xA000, s23;
	_ =	swait.ge [sflag:s13], $0x280  }
0x1f: {  	s22 =	smul.u32 $0xA000, s22;
	s24 =	rddreg [dreg:$0x5]  }
0x20: {  	s23 =	sshrl.u32 s23, $0x2;
	[sflag:s13] =	ssyncset.done $0x0;
	s24 =	sadd.s32 $0x0, s24  }
0x21: {  	s23 =	sor.u32 $0x400, s23;
	[sflag:s13] =	ssyncadd.s32 $0xFFFFFD80;
	s25 =	sadd.s32 $0x500, s24  }
0x22: {  	[tilespmem:s23], [sflag:$0x1] =	stream.linear.gather [hbm4b:s25+s3], $0x2800, $0x38;
	[tilespmem:$0x19400] =	vst v63  }
0x23: {  	s28 =	sand.u32 $0x1, s14;
	_ =	swait.ge [sflag:s14], $0x2800  }
0x24: {  	s26 =	sxor.u32 $0x1, s28;
	s22 =	sshrl.u32 s22, $0x2;
	[sflag:s14] =	ssyncset.done $0x0  }
0x25: {  	s26 =	smul.u32 $0xA000, s26;
	s22 =	sor.u32 $0x400, s22;
	[sflag:s14] =	ssyncadd.s32 $0xFFFFD800  }
0x26: {  	[spmem:s2] =	stream.indirect.scatter.add.f32 [tilespmem:s22], [sflag:$0x3], $0x80, s3, s15, $0xb8;
	[tilespmem:$0x19400] =	vst v63  }
0x27: {  	s26 =	sshrl.u32 s26, $0x2;
	_ =	swait.ge [sflag:s13], $0x2800  }
0x28: {  	s26 =	sor.u32 $0x400, s26;
	[sflag:s13] =	ssyncset.done $0x0  }
0x29: {  	s25 =	smul.u32 $0xA000, s28;
	s28 =	sadd.s32 $0xA00, s24;
	[sflag:s13] =	ssyncadd.s32 $0xFFFFD800  }
0x2a: {  	[tilespmem:s26], [sflag:$0x1] =	stream.linear.gather [hbm4b:s28+s3], $0x2800, $0x38;
	[tilespmem:$0x19400] =	vst v63  }
0x2b: {  	_ =	swait.ge [sflag:s14], $0x2800  }
0x2c: {  	s25 =	sshrl.u32 s25, $0x2;
	[sflag:s14] =	ssyncset.done $0x0  }
0x2d: {  	s25 =	sor.u32 $0x400, s25;
	[sflag:s14] =	ssyncadd.s32 $0xFFFFD800  }
0x2e: {  	[spmem:s2] =	stream.indirect.scatter.add.f32 [tilespmem:s25], [sflag:$0x3], $0x80, s16, s15, $0xb8;
	[tilespmem:$0x19400] =	vst v63  }
0x2f: {  	_ =	swait.ge [sflag:s13], $0x2800  }
0x30: {  	[sflag:s13] =	ssyncset.done $0x0  }
0x31: {  	s29 =	sadd.s32 $0xF00, s24;
	[sflag:s13] =	ssyncadd.s32 $0xFFFFD800  }
0x32: {  	[tilespmem:s23], [sflag:$0x1] =	stream.linear.gather [hbm4b:s29+s3], $0x2800, $0x38;
	[tilespmem:$0x19400] =	vst v63  }
0x33: {  	_ =	swait.ge [sflag:s14], $0x2800  }
0x34: {  	[sflag:s14] =	ssyncset.done $0x0  }
0x35: {  	[sflag:s14] =	ssyncadd.s32 $0xFFFFD800  }
0x36: {  	[spmem:s2] =	stream.indirect.scatter.add.f32 [tilespmem:s22], [sflag:$0x3], $0x80, s17, s15, $0xb8;
	[tilespmem:$0x19400] =	vst v63  }
0x37: {  	_ =	swait.ge [sflag:s13], $0x2800  }
0x38: {  	[sflag:s13] =	ssyncset.done $0x0  }
0x39: {  	s24 =	sadd.s32 $0x1400, s24;
	[sflag:s13] =	ssyncadd.s32 $0xFFFFD800  }
0x3a: {  	[tilespmem:s22], [sflag:$0x1] =	stream.linear.gather [hbm4b:s24+s3], $0x2800, $0x38;
	[tilespmem:$0x19400] =	vst v63  }
0x3b: {  	_ =	swait.ge [sflag:s14], $0x2800  }
0x3c: {  	[sflag:s14] =	ssyncset.done $0x0  }
0x3d: {  	s30 =	smin.u32 s3, $0x77;
	[sflag:s14] =	ssyncadd.s32 $0xFFFFD800  }
0x3e: {  	[spmem:s2] =	stream.indirect.scatter.add.f32 [tilespmem:s23], [sflag:$0x3], $0x80, s18, s15, $0xb8;
	[tilespmem:$0x19400] =	vst v63  }
0x3f: {  	s24 =	smul.u32 $0x50, s30;
	_ =	swait.ge [sflag:s13], $0x2800  }
0x40: {  	s31 =	rddreg [dreg:$0x6]  }
0x41: {  	s24 =	sadd.s32 s24, s31  }
0x42: {  	[sflag:s13] =	ssyncset.done $0x0;
	s24 =	sshll.u32 s24, $0x4  }
0x43: {  	[sflag:s13] =	ssyncadd.s32 $0xFFFFD800;
	s24 =	sadd.s32 s0, s24  }
0x44: {  	[tilespmem:s23], [sflag:$0x1] =	stream.linear.gather [hbm4b:s24+s3], $0x2800, $0x38;
	[tilespmem:$0x19400] =	vst v63  }
0x45: {  	_ =	swait.ge [sflag:s14], $0x2800  }
0x46: {  	[sflag:s14] =	ssyncset.done $0x0  }
0x47: {  	s25 =	smov.u32 s10;
	s23 =	simm.s32 $0x2;
	[sflag:s14] =	ssyncadd.s32 $0xFFFFD800  }
0x48: {  	[spmem:s2] =	stream.indirect.scatter.add.f32 [tilespmem:s22], [sflag:$0x3], $0x80, s19, s15, $0xb8;
	[tilespmem:$0x19400] =	vst v63  }
0x49: {  	s24 =	simm.s32 $0x5;
	s22 =	simm.s32 $0x1900;
	_ =	swait.ge [sflag:s13], $0x2800  }
.LBB2_2:
0x4a: {  	s26 =	sadd.s32 $0xFFFFFFFF, s23;
	[sflag:s13] =	ssyncset.done $0x0  }
0x4b: {  	s25 =	sadd.s32 $0x80, s25;
	s26 =	sand.u32 $0x1, s26;
	[sflag:s13] =	ssyncadd.s32 $0xFFFFD800  }
0x4c: {  	[tilespmem:s3], [sflag:$0x3] =	stream.linear.gather [hbm4b:s25+s3], $0x280, $0x38;
	[tilespmem:$0x19400] =	vst v63  }
0x4d: {  	s29 =	sxor.u32 $0x1, s26;
	s26 =	smul.u32 $0xA000, s26  }
0x4e: {  	s29 =	smul.u32 $0xA000, s29  }
0x4f: {  	s28 =	smov.u32 s22;
	_ =	swait.ge [sflag:s13], $0x280  }
0x50: {  	s30 =	rddreg [dreg:$0x5];
	s31 =	sshrl.u32 s26, $0x2;
	s29 =	sshrl.u32 s29, $0x2  }
0x51: {  	[sflag:s13] =	ssyncset.done $0x0;
	s26 =	sor.u32 $0x400, s29;
	s29 =	sadd.s32 s28, s30  }
0x52: {  	[sflag:s13] =	ssyncadd.s32 $0xFFFFFD80;
	s28 =	sadd.s32 $0x500, s29  }
0x53: {  	[tilespmem:s26], [sflag:$0x1] =	stream.linear.gather [hbm4b:s28+s3], $0x2800, $0x38;
	[tilespmem:$0x19400] =	vst v63  }
0x54: {  	s30 =	sand.u32 $0x1, s23;
	_ =	swait.ge [sflag:s14], $0x2800  }
0x55: {  	s1 =	sxor.u32 $0x1, s30;
	[sflag:s14] =	ssyncset.done $0x0  }
0x56: {  	s28 =	sor.u32 $0x400, s31;
	s31 =	smul.u32 $0xA000, s1;
	[sflag:s14] =	ssyncadd.s32 $0xFFFFD800  }
0x57: {  	[spmem:s2] =	stream.indirect.scatter.add.f32 [tilespmem:s28], [sflag:$0x3], $0x80, s3, s15, $0xb8;
	[tilespmem:$0x19400] =	vst v63  }
0x58: {  	_ =	swait.ge [sflag:s13], $0x2800  }
0x59: {  	s30 =	smul.u32 $0xA000, s30;
	s31 =	sshrl.u32 s31, $0x2;
	[sflag:s13] =	ssyncset.done $0x0  }
0x5a: {  	s1 =	sadd.s32 $0xA00, s29;
	s31 =	sor.u32 $0x400, s31;
	[sflag:s13] =	ssyncadd.s32 $0xFFFFD800  }
0x5b: {  	[tilespmem:s31], [sflag:$0x1] =	stream.linear.gather [hbm4b:s1+s3], $0x2800, $0x38;
	[tilespmem:$0x19400] =	vst v63  }
0x5c: {  	_ =	swait.ge [sflag:s14], $0x2800  }
0x5d: {  	s30 =	sshrl.u32 s30, $0x2;
	[sflag:s14] =	ssyncset.done $0x0  }
0x5e: {  	s30 =	sor.u32 $0x400, s30;
	[sflag:s14] =	ssyncadd.s32 $0xFFFFD800  }
0x5f: {  	[spmem:s2] =	stream.indirect.scatter.add.f32 [tilespmem:s30], [sflag:$0x3], $0x80, s16, s15, $0xb8;
	[tilespmem:$0x19400] =	vst v63  }
0x60: {  	_ =	swait.ge [sflag:s13], $0x2800  }
0x61: {  	[sflag:s13] =	ssyncset.done $0x0  }
0x62: {  	s31 =	sadd.s32 $0xF00, s29;
	[sflag:s13] =	ssyncadd.s32 $0xFFFFD800  }
0x63: {  	[tilespmem:s26], [sflag:$0x1] =	stream.linear.gather [hbm4b:s31+s3], $0x2800, $0x38;
	[tilespmem:$0x19400] =	vst v63  }
0x64: {  	_ =	swait.ge [sflag:s14], $0x2800  }
0x65: {  	[sflag:s14] =	ssyncset.done $0x0  }
0x66: {  	[sflag:s14] =	ssyncadd.s32 $0xFFFFD800  }
0x67: {  	[spmem:s2] =	stream.indirect.scatter.add.f32 [tilespmem:s28], [sflag:$0x3], $0x80, s17, s15, $0xb8;
	[tilespmem:$0x19400] =	vst v63  }
0x68: {  	_ =	swait.ge [sflag:s13], $0x2800  }
0x69: {  	[sflag:s13] =	ssyncset.done $0x0  }
0x6a: {  	s29 =	sadd.s32 $0x1400, s29;
	[sflag:s13] =	ssyncadd.s32 $0xFFFFD800  }
0x6b: {  	[tilespmem:s28], [sflag:$0x1] =	stream.linear.gather [hbm4b:s29+s3], $0x2800, $0x38;
	[tilespmem:$0x19400] =	vst v63  }
0x6c: {  	_ =	swait.ge [sflag:s14], $0x2800  }
0x6d: {  	[sflag:s14] =	ssyncset.done $0x0  }
0x6e: {  	s30 =	smin.u32 s24, $0x77;
	[sflag:s14] =	ssyncadd.s32 $0xFFFFD800  }
0x6f: {  	[spmem:s2] =	stream.indirect.scatter.add.f32 [tilespmem:s26], [sflag:$0x3], $0x80, s18, s15, $0xb8;
	[tilespmem:$0x19400] =	vst v63  }
0x70: {  	s1 =	smul.u32 $0x50, s30;
	_ =	swait.ge [sflag:s13], $0x2800  }
0x71: {  	s31 =	rddreg [dreg:$0x6]  }
0x72: {  	s1 =	sadd.s32 s1, s31  }
0x73: {  	[sflag:s13] =	ssyncset.done $0x0;
	s1 =	sshll.u32 s1, $0x4  }
0x74: {  	p1 =	sne.s32 s22, $0x25800;
	[sflag:s13] =	ssyncadd.s32 $0xFFFFD800;
	s1 =	sadd.s32 s0, s1  }
0x75: {  	[tilespmem:s26], [sflag:$0x1] =	stream.linear.gather [hbm4b:s1+s3], $0x2800, $0x38;
	[tilespmem:$0x19400] =	vst v63  }
.Ltmp0:
0x76: {  	_ =	swait.ge [sflag:s14], $0x2800;
	(pc) =	sbr.rel @p1 .LBB2_2-.Ltmp0, $4  }
0x77: {  	[sflag:s14] =	ssyncset.done $0x0  }
0x78: {  	s22 =	sadd.s32 $0x1900, s22;
	[sflag:s14] =	ssyncadd.s32 $0xFFFFD800  }
0x79: {  	[spmem:s2] =	stream.indirect.scatter.add.f32 [tilespmem:s28], [sflag:$0x3], $0x80, s19, s15, $0xb8;
	[tilespmem:$0x19400] =	vst v63  }
0x7a: {  	s23 =	sadd.s32 $0x1, s23;
	s24 =	sadd.s32 $0x5, s24;
	_ =	swait.ge [sflag:s13], $0x2800  }
0x7b: {  	[sflag:s13] =	ssyncset.done $0x0  }
0x7c: {  	[sflag:s13] =	ssyncadd.s32 $0xFFFFD800  }
0x7d: {  	_ =	swait.ge [sflag:s14], $0x2800  }
0x7e: {  	[sflag:s14] =	ssyncset.done $0x0  }
0x7f: {  	[sflag:s14] =	ssyncadd.s32 $0xFFFFD800  }
0x80: {  	s1 =	simm.s32 @!p0 $0x1C03;
	s22 =	simm.s32 @!p0 $0x3;
	[bflag:$0x0] =	sbarrier.arrive $0xFFFF  }
0x81: {  	[hbm:s7], [sflag:s1] =	dma.local @!p0 [spmem:s11], $0x28000  }
0x82: {  	_ =	swait.ge @!p0 [sflag:s22], $0x28000  }
0x83: {  	[sflag:s22] =	ssyncset.done @!p0 $0x0  }
0x84: {  	[sflag:s22] =	ssyncadd.s32 @!p0 $0xFFFD8000  }
0x85: {  	[spmem:s11], [sflag:s1] =	dma.local @!p0 [hbm:s4], $0x28000  }
0x86: {  	_ =	swait.ge @!p0 [sflag:s22], $0x28000  }
0x87: {  	[sflag:s22] =	ssyncset.done @!p0 $0x0  }
0x88: {  	s30 =	simm.s32 $0x0;
	[sflag:s22] =	ssyncadd.s32 @!p0 $0xFFFD8000  }
0x89: {  	[tilespmem:s12], [sflag:$0x3] =	stream.linear.gather [hbm4b:s5+s30], $0x2800, $0x38;
	[tilespmem:$0x19400] =	vst v63  }
0x8a: {  	_ =	swait.ge [sflag:s13], $0x2800  }
0x8b: {  	[sflag:s13] =	ssyncset.done $0x0  }
0x8c: {  	[sflag:s13] =	ssyncadd.s32 $0xFFFFD800  }
0x8d: {  	s31 =	sadd.s32 $0x0, s10;
	[bflag:$0x0] =	sbarrier.arrive $0xFFFF  }
0x8e: {  	[tilespmem:s3], [sflag:$0x3] =	stream.linear.gather [hbm4b:s31+s3], $0x280, $0x38;
	[tilespmem:$0x19400] =	vst v63  }
0x8f: {  	_ =	swait.ge [sflag:s13], $0x280  }
0x90: {  	[sflag:s13] =	ssyncset.done $0x0  }
0x91: {  	[sflag:s13] =	ssyncadd.s32 $0xFFFFFD80  }
0x92: {  	[spmem:s2] =	stream.indirect.scatter.add.f32 [tilespmem:s12], [sflag:$0x2], $0x80, s3, s15, $0xb8;
	[tilespmem:$0x19400] =	vst v63  }
0x93: {  	_ = 	snop  }
0x94: {  	[spmem:s2] =	stream.indirect.scatter.add.f32 [tilespmem:s12], [sflag:$0x2], $0x80, s16, s15, $0xb8;
	[tilespmem:$0x19400] =	vst v63  }
0x95: {  	_ = 	snop  }
0x96: {  	[spmem:s2] =	stream.indirect.scatter.add.f32 [tilespmem:s12], [sflag:$0x2], $0x80, s17, s15, $0xb8;
	[tilespmem:$0x19400] =	vst v63  }
0x97: {  	_ = 	snop  }
0x98: {  	[spmem:s2] =	stream.indirect.scatter.add.f32 [tilespmem:s12], [sflag:$0x2], $0x80, s18, s15, $0xb8;
	[tilespmem:$0x19400] =	vst v63  }
0x99: {  	_ = 	snop  }
0x9a: {  	[spmem:s2] =	stream.indirect.scatter.add.f32 [tilespmem:s12], [sflag:$0x2], $0x80, s19, s15, $0xb8;
	[tilespmem:$0x19400] =	vst v63  }
0x9b: {  	_ =	swait.ge [sflag:s20], $0x2800  }
0x9c: {  	[sflag:s20] =	ssyncset.done $0x0  }
0x9d: {  	[sflag:s20] =	ssyncadd.s32 $0xFFFFD800  }
0x9e: {  	_ =	swait.ge [sflag:s20], $0x2800  }
0x9f: {  	[sflag:s20] =	ssyncset.done $0x0  }
0xa0: {  	[sflag:s20] =	ssyncadd.s32 $0xFFFFD800  }
0xa1: {  	_ =	swait.ge [sflag:s20], $0x2800  }
0xa2: {  	[sflag:s20] =	ssyncset.done $0x0  }
0xa3: {  	[sflag:s20] =	ssyncadd.s32 $0xFFFFD800  }
0xa4: {  	_ =	swait.ge [sflag:s20], $0x2800  }
0xa5: {  	[sflag:s20] =	ssyncset.done $0x0  }
0xa6: {  	[sflag:s20] =	ssyncadd.s32 $0xFFFFD800  }
0xa7: {  	_ =	swait.ge [sflag:s20], $0x2800  }
0xa8: {  	s23 =	simm.s32 $0x100;
	s22 =	simm.s32 $0x80;
	[sflag:s20] =	ssyncset.done $0x0  }
.LBB2_4:
0xa9: {  	s1 =	sadd.s32 s22, s10  }
0xaa: {  	[sflag:s20] =	ssyncadd.s32 $0xFFFFD800;
	s22 =	smov.u32 s23;
	s24 =	sadd.s32 $0x80, s23  }
0xab: {  	[tilespmem:s3], [sflag:$0x3] =	stream.linear.gather [hbm4b:s1+s3], $0x280, $0x38;
	[tilespmem:$0x19400] =	vst v63  }
0xac: {  	p1 =	sne.s32 s23, $0xC00;
	_ =	swait.ge [sflag:s13], $0x280  }
0xad: {  	[sflag:s13] =	ssyncset.done $0x0  }
0xae: {  	[sflag:s13] =	ssyncadd.s32 $0xFFFFFD80  }
0xaf: {  	[spmem:s2] =	stream.indirect.scatter.add.f32 [tilespmem:s12], [sflag:$0x2], $0x80, s3, s15, $0xb8;
	[tilespmem:$0x19400] =	vst v63  }
0xb0: {  	_ = 	snop  }
0xb1: {  	[spmem:s2] =	stream.indirect.scatter.add.f32 [tilespmem:s12], [sflag:$0x2], $0x80, s16, s15, $0xb8;
	[tilespmem:$0x19400] =	vst v63  }
0xb2: {  	_ = 	snop  }
0xb3: {  	[spmem:s2] =	stream.indirect.scatter.add.f32 [tilespmem:s12], [sflag:$0x2], $0x80, s17, s15, $0xb8;
	[tilespmem:$0x19400] =	vst v63  }
0xb4: {  	_ = 	snop  }
0xb5: {  	[spmem:s2] =	stream.indirect.scatter.add.f32 [tilespmem:s12], [sflag:$0x2], $0x80, s18, s15, $0xb8;
	[tilespmem:$0x19400] =	vst v63  }
0xb6: {  	_ = 	snop  }
0xb7: {  	[spmem:s2] =	stream.indirect.scatter.add.f32 [tilespmem:s12], [sflag:$0x2], $0x80, s19, s15, $0xb8;
	[tilespmem:$0x19400] =	vst v63  }
0xb8: {  	_ =	swait.ge [sflag:s20], $0x2800  }
0xb9: {  	[sflag:s20] =	ssyncset.done $0x0  }
0xba: {  	[sflag:s20] =	ssyncadd.s32 $0xFFFFD800  }
0xbb: {  	_ =	swait.ge [sflag:s20], $0x2800  }
0xbc: {  	[sflag:s20] =	ssyncset.done $0x0  }
0xbd: {  	[sflag:s20] =	ssyncadd.s32 $0xFFFFD800  }
0xbe: {  	_ =	swait.ge [sflag:s20], $0x2800  }
0xbf: {  	[sflag:s20] =	ssyncset.done $0x0  }
0xc0: {  	[sflag:s20] =	ssyncadd.s32 $0xFFFFD800  }
.Ltmp1:
0xc1: {  	_ =	swait.ge [sflag:s20], $0x2800;
	(pc) =	sbr.rel @p1 .LBB2_4-.Ltmp1, $4  }
0xc2: {  	[sflag:s20] =	ssyncset.done $0x0  }
0xc3: {  	[sflag:s20] =	ssyncadd.s32 $0xFFFFD800  }
0xc4: {  	_ =	swait.ge [sflag:s20], $0x2800  }
0xc5: {  	s23 =	smov.u32 s24;
	[sflag:s20] =	ssyncset.done $0x0  }
0xc6: {  	s1 =	sadd.s32 s22, s10;
	[sflag:s20] =	ssyncadd.s32 $0xFFFFD800  }
0xc7: {  	[tilespmem:s3], [sflag:$0x3] =	stream.linear.gather [hbm4b:s1+s3], $0x280, $0x38;
	[tilespmem:$0x19400] =	vst v63  }
0xc8: {  	_ =	swait.ge [sflag:s13], $0x280  }
0xc9: {  	[sflag:s13] =	ssyncset.done $0x0  }
0xca: {  	[sflag:s13] =	ssyncadd.s32 $0xFFFFFD80  }
0xcb: {  	[spmem:s2] =	stream.indirect.scatter.add.f32 [tilespmem:s12], [sflag:$0x2], $0x80, s3, s15, $0xb8;
	[tilespmem:$0x19400] =	vst v63  }
0xcc: {  	_ = 	snop  }
0xcd: {  	[spmem:s2] =	stream.indirect.scatter.add.f32 [tilespmem:s12], [sflag:$0x2], $0x80, s16, s15, $0xb8;
	[tilespmem:$0x19400] =	vst v63  }
0xce: {  	_ = 	snop  }
0xcf: {  	[spmem:s2] =	stream.indirect.scatter.add.f32 [tilespmem:s12], [sflag:$0x2], $0x80, s17, s15, $0xb8;
	[tilespmem:$0x19400] =	vst v63  }
0xd0: {  	_ = 	snop  }
0xd1: {  	[spmem:s2] =	stream.indirect.scatter.add.f32 [tilespmem:s12], [sflag:$0x2], $0x80, s18, s15, $0xb8;
	[tilespmem:$0x19400] =	vst v63  }
0xd2: {  	_ = 	snop  }
0xd3: {  	[spmem:s2] =	stream.indirect.scatter.add.f32 [tilespmem:s12], [sflag:$0x2], $0x80, s19, s15, $0xb8;
	[tilespmem:$0x19400] =	vst v63  }
0xd4: {  	_ =	swait.ge [sflag:s20], $0x2800  }
0xd5: {  	[sflag:s20] =	ssyncset.done $0x0  }
0xd6: {  	[sflag:s20] =	ssyncadd.s32 $0xFFFFD800  }
0xd7: {  	_ =	swait.ge [sflag:s20], $0x2800  }
0xd8: {  	[sflag:s20] =	ssyncset.done $0x0  }
0xd9: {  	[sflag:s20] =	ssyncadd.s32 $0xFFFFD800  }
0xda: {  	_ =	swait.ge [sflag:s20], $0x2800  }
0xdb: {  	[sflag:s20] =	ssyncset.done $0x0  }
0xdc: {  	[sflag:s20] =	ssyncadd.s32 $0xFFFFD800  }
0xdd: {  	_ =	swait.ge [sflag:s20], $0x2800  }
0xde: {  	[sflag:s20] =	ssyncset.done $0x0  }
0xdf: {  	[sflag:s20] =	ssyncadd.s32 $0xFFFFD800  }
0xe0: {  	_ =	swait.ge [sflag:s20], $0x2800  }
0xe1: {  	[sflag:s20] =	ssyncset.done $0x0  }
0xe2: {  	s21 =	sadd.s32 $0x1, s21;
	[sflag:s20] =	ssyncadd.s32 $0xFFFFD800  }
0xe3: {  	s1 =	simm.s32 @!p0 $0x1C03;
	p1 =	sne.s32 s21, s9;
	[bflag:$0x0] =	sbarrier.arrive $0xFFFF  }
0xe4: {  	[hbm:s8], [sflag:s1] =	dma.local @!p0 [spmem:s11], $0x28000  }
.Ltmp2:
0xe5: {  	_ = 	snop;
	(pc) =	sbr.rel @p1 .LBB2_1-.Ltmp2, $4  }
0xe6: {  	s1 =	simm.s32 @!p0 $0x3  }
0xe7: {  	_ =	swait.ge @!p0 [sflag:s1], $0x28000  }
0xe8: {  	[sflag:s1] =	ssyncset.done @!p0 $0x0  }
0xe9: {  	[sflag:s1] =	ssyncadd.s32 @!p0 $0xFFFD8000  }
0xea: {  	_ =	sfence.sel $0x180000  }
0xeb: {  	[bflag:$0x0] =	sbarrier.arrive $0xFFFF  }
0xec: {  	_ =	strace $0x90000047  }
0xed: {  	[bflag:$0x2] =	sbarrier.arrive $0xFFFF  }
0xee: {  	s0 =	rddreg [dreg:$0x4]  }
0xef: {  	s0 =	sadd.s32 @!p0 $0x100000, s0  }
0xf0: {  	[sflag:s0] =	ssyncadd.tile.s32 @!p0 $0x1;
	_ =	shalt  }
.Lfunc_end2:
_tile_overlayer_lowered:
.L_overlay_start_2:
0xf1: {  	(tag) =	ssettag $0x2  }
0xf2: {  	s0 =	rddreg [dreg:$0x0];
	s2 =	stileid.u32  }
0xf3: {  	s1 =	rddreg [dreg:$0x1];
	p0 =	sne.s32 s2, $0x0  }
0xf4: {  	s3 =	rddreg [dreg:$0x2];
	[bflag:$0x3] =	sbarrier.arrive $0xFFFF;
	s2 =	simm.s32 @!p0 $0x1C03  }
0xf5: {  	[timem:s3], [sflag:s2] =	dma.local @!p0 [hbm:s0], s1  }
0xf6: {  	s0 =	simm.s32 @!p0 $0x3  }
0xf7: {  	_ =	swait.ge @!p0 [sflag:s0], s1  }
0xf8: {  	s1 =	ssub.s32 @!p0 $0x0, s1;
	[sflag:s0] =	ssyncset.done @!p0 $0x0  }
0xf9: {  	[sflag:s0] =	ssyncadd.s32 @!p0 s1  }
0xfa: {  	[bflag:$0x3] =	sbarrier.arrive $0xFFFF  }
0xfb: {  	_ =	shalt  }

// kernel: kernel.8.cloned.1.call-start
scs
__scs_entry_jumppad:
0x0: {  	(pc) =	sbr.rel $0x88, $3  }
0x1: {  	(tag) =	ssettag $0x0;
	lr =	simm.s32 $0x1  }
0x2: {  	[smem:$0x3F9F] =	sst lr;
	_ =	strace $0xD0000000  }
0x3: {  	_ = 	snop  }
0x4: {  	_ = 	snop  }
0x5: {  	_ = 	snop  }
0x6: {  	_ = 	snop  }
0x7: {  	_ = 	snop  }
__scs_overlays_trampoline_lowered:
0x8: {  	[smem:$0x3FAE] =	sst s0  }
0x9: {  	[smem:$0x3FAF] =	sst s1  }
0xa: {  	[smem:$0x3FB0] =	sst s2  }
0xb: {  	[smem:$0x3FB1] =	sst s3  }
0xc: {  	[smem:$0x3FB2] =	sst s4  }
0xd: {  	[smem:$0x3FB3] =	sst s5  }
0xe: {  	[smem:$0x3FB4] =	sst s6  }
0xf: {  	[smem:$0x3FB5] =	sst s7  }
0x10: {  	[smem:$0x3FB6] =	sst s8  }
0x11: {  	[smem:$0x3FB7] =	sst s9;
	s0 =	simm.s32 @!p0 $0x0  }
0x12: {  	s1 =	sld [smem:$0x3F9D];
	s0 =	simm.s32 @p0 $0x1  }
0x13: {  	[smem:$0x3FB8] =	sst s0;
	s0 =	simm.s32 @!p1 $0x0  }
0x14: {  	s2 =	sld [smem:$0x3F9C];
	s0 =	simm.s32 @p1 $0x1  }
0x15: {  	[smem:$0x3FB9] =	sst s0;
	s0 =	simm.s32 @!p2 $0x0  }
0x16: {  	s3 =	sld [smem:$0x3FDB];
	s0 =	simm.s32 @p2 $0x1  }
0x17: {  	s4 =	simm.s32 $0x1BF5;
	[smem:$0x3FBB] =	sst s0  }
0x18: {  	s0 =	sld [smem:$0x3F9E];
	_ =	swait.ge [sflag:s4], $0x0  }
0x19: {  	s7 =	sld [smem:$0x3F9F]  }
0x1a: {  	s8 =	sadd.s32 $0xFFFFE003, lr  }
0x1b: {  	s9 =	sadd.s32 $0xFFFFFEF7, lr;
	s5 =	simm.s32 $0xFFFFFFFF;
	p2 =	slt.u32 s8, $0xFFFFF086  }
0x1c: {  	p1 =	slt.u32 s9, $0xF7A;
	s5 =	simm.s32 @!p2 $0x0  }
0x1d: {  	s5 =	simm.s32 @p1 $0x1;
	p0 =	seq.s32 s7, s2  }
0x1e: {  	s7 =	smul.u32 @!p0 $0xF7A, s2;
	p2 =	seq.s32 @!p0 s5, $0x0  }
0x1f: {  	s9 =	smul.u32 $0xF7A, s1;
	s8 =	simm.s32 @!p0 $0x1BF5;
	p2 =	por !p2, p0  }
0x20: {  	[sflag:s8] =	ssyncset.s32 @!p0 $0xFFFFF086;
	s6 =	sadd.s32 @!p0 s3, s7;
	s7 =	simm.s32 @!p0 $0x108  }
0x21: {  	s3 =	sadd.s32 s3, s9;
	s6 =	sadd.s32 @!p0 $0x88, s6;
	s7 =	simm.s32 @p2 $0x1082  }
0x22: {  	[simem:s7], [sflag:s8] =	dma.local @!p0 [hbm:s6], $0xF7A  }
0x23: {  	s9 =	sor.u32 $0xD0000000, s2;
	s6 =	simm.s32 $0x108;
	_ =	swait.ge @!p0 [sflag:s8], $0x0  }
0x24: {  	s3 =	sadd.s32 $0x88, s3;
	s6 =	simm.s32 @!p1 $0x1082;
	[sflag:s4] =	ssyncset.s32 $0xFFFFF086  }
0x25: {  	[simem:s6], [sflag:s4] =	dma.local [hbm:s3], $0xF7A  }
0x26: {  	[smem:$0x3F9F] =	sst s1;
	(tag) =	ssettag s2;
	_ =	strace s9  }
0x27: {  	s1 =	sld [smem:$0x3FAF]  }
0x28: {  	s2 =	sld [smem:$0x3FB0]  }
0x29: {  	s4 =	sld [smem:$0x3FB2]  }
0x2a: {  	p0 =	seq.s32 s5, $0x0;
	s5 =	sld [smem:$0x3FB3]  }
0x2b: {  	s6 =	sld [smem:$0x3FB4]  }
0x2c: {  	s7 =	sld [smem:$0x3FB5]  }
0x2d: {  	s3 =	simm.s32 $0x108;
	s8 =	sld [smem:$0x3FB6]  }
0x2e: {  	s3 =	simm.s32 @!p0 $0x1082;
	s9 =	sld [smem:$0x3FB7]  }
0x2f: {  	lr =	sadd.s32 s0, s3;
	s0 =	sld [smem:$0x3FAE]  }
0x30: {  	s3 =	sld [smem:$0x3FB1]  }
0x31: {  	[smem:$0x3FBA] =	sst s10  }
0x32: {  	s10 =	sld [smem:$0x3FB8];
	_ =	sdelay $0x3  }
0x33: {  	p0 =	seq.s32 s10, $0x1;
	s10 =	sld [smem:$0x3FBA];
	_ =	sdelay $0x3  }
0x34: {  	[smem:$0x3FBA] =	sst s10  }
0x35: {  	s10 =	sld [smem:$0x3FB9];
	_ =	sdelay $0x3  }
0x36: {  	p1 =	seq.s32 s10, $0x1;
	s10 =	sld [smem:$0x3FBA];
	_ =	sdelay $0x3  }
0x37: {  	[smem:$0x3FBA] =	sst s10  }
0x38: {  	s10 =	sld [smem:$0x3FBB]  }
0x39: {  	_ = 	snop;
	(pc) =	sbr.ind lr, $3  }
0x3a: {  	_ = 	snop  }
0x3b: {  	_ = 	snop  }
0x3c: {  	p2 =	seq.s32 s10, $0x1;
	s10 =	sld [smem:$0x3FBA]  }
0x3d: {  	_ =	shalt  }
0x3e: {  	_ =	shalt  }
0x3f: {  	_ =	shalt  }
0x40: {  	_ =	shalt  }
0x41: {  	_ =	shalt  }
0x42: {  	_ =	shalt  }
0x43: {  	_ =	shalt  }
0x44: {  	_ =	shalt  }
0x45: {  	_ =	shalt  }
0x46: {  	_ =	shalt  }
0x47: {  	_ =	shalt  }
0x48: {  	_ =	shalt  }
0x49: {  	_ =	shalt  }
0x4a: {  	_ =	shalt  }
0x4b: {  	_ =	shalt  }
0x4c: {  	_ =	shalt  }
0x4d: {  	_ =	shalt  }
0x4e: {  	_ =	shalt  }
0x4f: {  	_ =	shalt  }
0x50: {  	_ =	shalt  }
0x51: {  	_ =	shalt  }
0x52: {  	_ =	shalt  }
0x53: {  	_ =	shalt  }
0x54: {  	_ =	shalt  }
0x55: {  	_ =	shalt  }
0x56: {  	_ =	shalt  }
0x57: {  	_ =	shalt  }
0x58: {  	_ =	shalt  }
0x59: {  	_ =	shalt  }
0x5a: {  	_ =	shalt  }
0x5b: {  	_ =	shalt  }
0x5c: {  	_ =	shalt  }
0x5d: {  	_ =	shalt  }
0x5e: {  	_ =	shalt  }
0x5f: {  	_ =	shalt  }
0x60: {  	_ =	shalt  }
0x61: {  	_ =	shalt  }
0x62: {  	_ =	shalt  }
0x63: {  	_ =	shalt  }
0x64: {  	_ =	shalt  }
0x65: {  	_ =	shalt  }
0x66: {  	_ =	shalt  }
0x67: {  	_ =	shalt  }
0x68: {  	_ =	shalt  }
0x69: {  	_ =	shalt  }
0x6a: {  	_ =	shalt  }
0x6b: {  	_ =	shalt  }
0x6c: {  	_ =	shalt  }
0x6d: {  	_ =	shalt  }
0x6e: {  	_ =	shalt  }
0x6f: {  	_ =	shalt  }
0x70: {  	_ =	shalt  }
0x71: {  	_ =	shalt  }
0x72: {  	_ =	shalt  }
0x73: {  	_ =	shalt  }
0x74: {  	_ =	shalt  }
0x75: {  	_ =	shalt  }
0x76: {  	_ =	shalt  }
0x77: {  	_ =	shalt  }
0x78: {  	_ =	shalt  }
0x79: {  	_ =	shalt  }
0x7a: {  	_ =	shalt  }
0x7b: {  	_ =	shalt  }
0x7c: {  	_ =	shalt  }
0x7d: {  	_ =	shalt  }
0x7e: {  	_ =	shalt  }
0x7f: {  	_ =	shalt  }
0x80: {  	_ =	shalt  }
0x81: {  	_ =	shalt  }
0x82: {  	_ =	shalt  }
0x83: {  	_ =	shalt  }
0x84: {  	_ =	shalt  }
0x85: {  	_ =	shalt  }
0x86: {  	_ =	shalt  }
0x87: {  	_ =	shalt  }
.Lfunc_end0:
.L_simem_size_0:
called_computation.1_lowered:
.L_overlay_start_0:
0x88: {  	s2 =	sld [smem:$0x3FD9]  }
0x89: {  	s3 =	sld [smem:$0x3FFE];
	_ =	sdelay $0x1  }
0x8a: {  	s1 =	srdreg.scid  }
0x8b: {  	s0 =	sand.u32 $0x1, s1  }
0x8c: {  	s17 =	sshll.u32 s0, $0xA;
	s2 =	sadd.s32 s3, s2  }
0x8d: {  	s2 =	sadd.s32 s2, s17  }
0x8e: {  	[smem:$0x3FC6] =	sst s2  }
0x8f: {  	_ = 	snop  }
0x90: {  	s2 =	sld [smem:$0x3FD0];
	(tm) =	ssettm $0x1  }
0x91: {  	s18 =	sld [smem:$0x3FFB];
	_ =	sdelay $0x3  }
0x92: {  	_ =	strace s18  }
0x93: {  	s3 =	sld [smem:$0x3FFC];
	_ =	sdelay $0x3  }
0x94: {  	_ =	strace s3  }
0x95: {  	s3 =	sld [smem:$0x3FFD];
	_ =	sdelay $0x3  }
0x96: {  	_ =	strace s3  }
0x97: {  	_ =	strace $0x8FFFFFFF  }
0x98: {  	s19 =	sld [smem:$0x3FDB];
	_ =	sdelay $0x1  }
0x99: {  	s4 =	simm.s32 $_scs_section_size  }
0x9a: {  	s5 =	simm.s32 $_size__tile_overlayer_lowered;
	s6 =	simm.s32 $_tile_overlayer_lowered  }
0x9b: {  	s22 =	simm.s32 $0x1BFF;
	s21 =	sshll.u32 s6, $0x1;
	s3 =	sadd.s32 s4, s19  }
0x9c: {  	s7 =	simm.s32 $0x0;
	s20 =	sshll.u32 s5, $0x1;
	s5 =	sadd.s32 s21, s3  }
0x9d: {  	[timem:s7], [sflag:s22] =	dma.local [hbm:s5], s20  }
0x9e: {  	_ =	swait.ge [sflag:s22], s20  }
0x9f: {  	s4 =	ssub.s32 $0x0, s20;
	[sflag:s22] =	ssyncset.done $0x0  }
0xa0: {  	[sflag:s22] =	ssyncadd.s32 s4;
	_ =	sdelay $0x1  }
0xa1: {  	s23 =	simm.s32 $0x1B8B  }
0xa2: {  	_ =	swait.ge [sflag:s23], $0x1  }
0xa3: {  	[sflag:s23] =	ssyncset.done $0x0  }
0xa4: {  	s25 =	simm.s32 $0x1B8E;
	s24 =	sld [smem:$0x3FFE];
	[sflag:s23] =	ssyncadd.s32 $0xFFFFFFFF  }
0xa5: {  	s26 =	simm.s32 $execute0_lowered;
	[smem:$0x3FD2] =	sst s25  }
0xa6: {  	s5 =	sshll.u32 s26, $0x1;
	_ =	strace $0x80000049;
	[dreg:$0x1] =	wrdreg $0xFFFFFFFF  }
0xa7: {  	s28 =	simm.s32 $_size_execute0_lowered;
	s3 =	sadd.s32 s3, s5;
	[dreg:$0x0] =	wrdreg $0x0  }
0xa8: {  	s5 =	sshll.u32 s28, $0x1;
	[dreg:$0x2] =	wrdreg s3  }
0xa9: {  	[dreg:$0x3] =	wrdreg s5  }
0xaa: {  	[dreg:$0x4] =	wrdreg $0xC0  }
0xab: {  	_ =	task [dreg:s7], $0x5FFFF  }
0xac: {  	[dreg:$0x1] =	wrdreg $0xFFFFFFFF  }
0xad: {  	[dreg:$0x0] =	wrdreg $0x60  }
0xae: {  	[dreg:$0x2] =	wrdreg s24  }
0xaf: {  	[dreg:$0x3] =	wrdreg s2  }
0xb0: {  	[dreg:$0x4] =	wrdreg $0x9  }
0xb1: {  	_ =	task.clear_ibuf [dreg:s7], $0x5FFFF;
	_ =	strace $0x90000049  }
0xb2: {  	s29 =	simm.s32 $0x9;
	_ =	strace $0x8000004B  }
0xb3: {  	_ =	swait.ge [sflag:s29], $0x1  }
0xb4: {  	[sflag:s29] =	ssyncadd.s32 $0xFFFFFFFF  }
0xb5: {  	_ =	strace $0x9000004B  }
0xb6: {  	_ =	sfence  }
0xb7: {  	s30 =	sld [smem:$0x0];
	_ =	sdelay $0x2  }
0xb8: {  	s31 =	sshll.u32 s1, $0xD;
	s1 =	sshrl.u32 s1, $0x2  }
0xb9: {  	s3 =	sand.u32 $0x4000, s31;
	s1 =	sadd.s32 s1, s30  }
0xba: {  	s0 =	sor.u32 s3, s0;
	s1 =	sshll.u32 s1, $0x11  }
0xbb: {  	s0 =	sor.u32 s1, s0  }
0xbc: {  	s0 =	sadd.s32 $0x8F2B, s0  }
0xbd: {  	[sflag:s0] =	ssyncadd.remote.s32 $0x1  }
0xbe: {  	_ =	sfence.sel $0xFFFF  }
0xbf: {  	[dreg:$0x0] =	wrdreg $0xFFFFFFFF;
	(pc) =	sbr.abs _section_cstart, $3  }
0xc0: {  	[dreg:$0x1] =	wrdreg $0xFFFFFFFF  }
0xc1: {  	_ =	task.clear_ibuf [dreg:s7], $0x2FFFF;
	_ =	strace $0x9FFFFFFF  }
0xc2: {  	(tm) =	ssettm $0x7FFFFFFF  }
0xc3: {  	_ =	shalt  }
tec
execute0_lowered:
.L_overlay_start_1:
0x0: {  	(tag) =	ssettag $0x1  }
0x1: {  	s4 =	rddreg [dreg:$0x0]  }
0x2: {  	s5 =	rddreg [dreg:$0x1]  }
0x3: {  	s0 =	rddreg [dreg:$0x2]  }
0x4: {  	s3 =	srdreg.scid;
	s1 =	stileid.u32;
	s2 =	simm.s32 $0x0  }
0x5: {  	s11 =	simm.s32 $0x180;
	s12 =	simm.s32 $0x200;
	s13 =	simm.s32 $0x1  }
0x6: {  	s14 =	simm.s32 $0x2;
	s15 =	simm.s32 $0x0;
	s7 =	smul.u32 $0xC800, s1  }
0x7: {  	s6 =	sand.u32 $0x1, s3;
	[smem:$0x7FF] =	sst s2;
	s9 =	smul.u32 $0x4E200, s1  }
0x8: {  	s3 =	sadd.s32 $0x1A000, s4;
	s8 =	smul.u32 $0x6400, s6;
	s29 =	ssub.s32 $0x2, s6  }
0x9: {  	_ =	strace $0x8000004A;
	s6 =	smul.u32 $0x27100, s6;
	s10 =	sshrl.u32 s29, $0x1  }
0xa: {  	s31 =	sadd.s32 s9, s5;
	s9 =	simm.s32 $0x80;
	s7 =	sadd.s32 s8, s7  }
0xb: {  	s30 =	ssub.s32 s29, s10;
	s6 =	sadd.s32 s6, s31;
	s7 =	sshrl.u32 s7, $0x3  }
0xc: {  	s8 =	simm.s32 $0x50;
	s10 =	simm.s32 $0x100;
	s7 =	sadd.s32 s7, s4  }
0xd: {  	s4 =	smax.u32 s30, $0x1;
	s5 =	sadd.s32 $0x1000, s7;
	s7 =	simm.s32 $0x3  }
.LBB2_1:
0xe: {  	[tilespmem:s2], [sflag:$0x3] =	stream.linear.gather [hbm4b:s5+s2], $0x280, $0x38;
	[tilespmem:$0x19400] =	vst v63  }
0xf: {  	_ =	swait.ge [sflag:s7], $0x280  }
0x10: {  	p0 =	por $0x1, $0x1;
	[sflag:s7] =	ssyncset.done $0x0  }
0x11: {  	s16 =	simm.s32 @!p0 $0x2;
	[sflag:s7] =	ssyncadd.s32 $0xFFFFFD80  }
0x12: {  	_ =	swait.ge @!p0 [sflag:s16], $0x2800  }
0x13: {  	[sflag:s16] =	ssyncset.done @!p0 $0x0  }
0x14: {  	[sflag:s16] =	ssyncadd.s32 @!p0 $0xFFFFD800  }
0x15: {  	_ =	swait.ge @!p0 [sflag:s16], $0x2800  }
0x16: {  	[sflag:s16] =	ssyncset.done @!p0 $0x0  }
0x17: {  	[sflag:s16] =	ssyncadd.s32 @!p0 $0xFFFFD800  }
0x18: {  	_ =	swait.ge @!p0 [sflag:s16], $0x2800  }
0x19: {  	[sflag:s16] =	ssyncset.done @!p0 $0x0  }
0x1a: {  	[sflag:s16] =	ssyncadd.s32 @!p0 $0xFFFFD800  }
0x1b: {  	_ =	swait.ge @!p0 [sflag:s16], $0x2800  }
0x1c: {  	[sflag:s16] =	ssyncset.done @!p0 $0x0  }
0x1d: {  	s17 =	sand.u32 $0x1, s2;
	[sflag:s16] =	ssyncadd.s32 @!p0 $0xFFFFD800  }
0x1e: {  	p1 =	seq.s32 s17, $0x1;
	s17 =	simm.s32 $0xC800;
	_ =	swait.ge @!p0 [sflag:s16], $0x2800  }
0x1f: {  	s17 =	simm.s32 @!p1 $0x0;
	[sflag:s16] =	ssyncset.done @!p0 $0x0  }
0x20: {  	s26 =	sor.u32 $0x400, s17;
	[sflag:s16] =	ssyncadd.s32 @!p0 $0xFFFFD800  }
0x21: {  	[tilespmem:s26], [sflag:$0x1] =	stream.indirect.gather [hbm4b:s3+s8], $0x80, s2, s8, $0xb8;
	[tilespmem:$0x19400] =	vst v63  }
0x22: {  	s18 =	sadd.s32 $0x2C00, s17  }
0x23: {  	[tilespmem:s18], [sflag:$0x1] =	stream.indirect.gather [hbm4b:s3+s8], $0x80, s9, s8, $0xb8;
	[tilespmem:$0x19400] =	vst v63  }
0x24: {  	s19 =	sadd.s32 $0x5400, s17  }
0x25: {  	[tilespmem:s19], [sflag:$0x1] =	stream.indirect.gather [hbm4b:s3+s8], $0x80, s10, s8, $0xb8;
	[tilespmem:$0x19400] =	vst v63  }
0x26: {  	s21 =	sadd.s32 $0x7C00, s17  }
0x27: {  	[tilespmem:s21], [sflag:$0x1] =	stream.indirect.gather [hbm4b:s3+s8], $0x80, s11, s8, $0xb8;
	[tilespmem:$0x19400] =	vst v63  }
0x28: {  	s20 =	sadd.s32 $0xA400, s17  }
0x29: {  	[tilespmem:s20], [sflag:$0x1] =	stream.indirect.gather [hbm4b:s3+s8], $0x80, s12, s8, $0xb8;
	[tilespmem:$0x19400] =	vst v63  }
0x2a: {  	_ =	swait.ge [sflag:s13], $0x2800  }
0x2b: {  	[sflag:s13] =	ssyncset.done $0x0  }
0x2c: {  	[sflag:s13] =	ssyncadd.s32 $0xFFFFD800  }
0x2d: {  	_ =	swait.ge [sflag:s13], $0x2800  }
0x2e: {  	[sflag:s13] =	ssyncset.done $0x0  }
0x2f: {  	[sflag:s13] =	ssyncadd.s32 $0xFFFFD800  }
0x30: {  	_ =	swait.ge [sflag:s13], $0x2800  }
0x31: {  	[sflag:s13] =	ssyncset.done $0x0  }
0x32: {  	[sflag:s13] =	ssyncadd.s32 $0xFFFFD800  }
0x33: {  	_ =	swait.ge [sflag:s13], $0x2800  }
0x34: {  	[sflag:s13] =	ssyncset.done $0x0  }
0x35: {  	[sflag:s13] =	ssyncadd.s32 $0xFFFFD800  }
0x36: {  	_ =	swait.ge [sflag:s13], $0x2800  }
0x37: {  	[sflag:s13] =	ssyncset.done $0x0  }
0x38: {  	s28 =	sadd.s32 $0x0, s6;
	[sflag:s13] =	ssyncadd.s32 $0xFFFFD800  }
0x39: {  	[hbm4b:s28+s2] =	stream.linear.scatter [tilespmem:s26], [sflag:$0x2], $0x2800, $0x38;
	[tilespmem:$0x19400] =	vst v63  }
0x3a: {  	s29 =	sadd.s32 $0x500, s28  }
0x3b: {  	[hbm4b:s29+s2] =	stream.linear.scatter [tilespmem:s18], [sflag:$0x2], $0x2800, $0x38;
	[tilespmem:$0x19400] =	vst v63  }
0x3c: {  	s30 =	sadd.s32 $0xA00, s28;
	s31 =	sadd.s32 $0xF00, s28;
	s17 =	simm.s32 $0x1  }
0x3d: {  	[hbm4b:s30+s2] =	stream.linear.scatter [tilespmem:s19], [sflag:$0x2], $0x2800, $0x38;
	[tilespmem:$0x19400] =	vst v63  }
0x3e: {  	s16 =	simm.s32 $0x1900;
	s18 =	sadd.s32 $0x80, s5;
	s19 =	sadd.s32 $0x1400, s28  }
0x3f: {  	[hbm4b:s31+s2] =	stream.linear.scatter [tilespmem:s21], [sflag:$0x2], $0x2800, $0x38;
	[tilespmem:$0x19400] =	vst v63  }
.LBB2_2:
0x40: {  	[hbm4b:s19+s2] =	stream.linear.scatter [tilespmem:s20], [sflag:$0x2], $0x2800, $0x38;
	[tilespmem:$0x19400] =	vst v63  }
0x41: {  	s19 =	smov.u32 s16;
	s16 =	sadd.s32 $0x1900, s16  }
0x42: {  	[tilespmem:s2], [sflag:$0x3] =	stream.linear.gather [hbm4b:s18+s2], $0x280, $0x38;
	[tilespmem:$0x19400] =	vst v63  }
0x43: {  	p0 =	sne.s32 s16, $0x27100;
	_ =	swait.ge [sflag:s7], $0x280  }
0x44: {  	p1 =	slt.u32 s17, $0x2;
	[sflag:s7] =	ssyncset.done $0x0  }
0x45: {  	s20 =	simm.s32 @!p1 $0x2;
	[sflag:s7] =	ssyncadd.s32 $0xFFFFFD80  }
0x46: {  	_ =	swait.ge @!p1 [sflag:s20], $0x2800  }
0x47: {  	[sflag:s20] =	ssyncset.done @!p1 $0x0  }
0x48: {  	[sflag:s20] =	ssyncadd.s32 @!p1 $0xFFFFD800  }
0x49: {  	_ =	swait.ge @!p1 [sflag:s20], $0x2800  }
0x4a: {  	[sflag:s20] =	ssyncset.done @!p1 $0x0  }
0x4b: {  	[sflag:s20] =	ssyncadd.s32 @!p1 $0xFFFFD800  }
0x4c: {  	_ =	swait.ge @!p1 [sflag:s20], $0x2800  }
0x4d: {  	[sflag:s20] =	ssyncset.done @!p1 $0x0  }
0x4e: {  	[sflag:s20] =	ssyncadd.s32 @!p1 $0xFFFFD800  }
0x4f: {  	_ =	swait.ge @!p1 [sflag:s20], $0x2800  }
0x50: {  	[sflag:s20] =	ssyncset.done @!p1 $0x0  }
0x51: {  	s21 =	sand.u32 $0x1, s17;
	[sflag:s20] =	ssyncadd.s32 @!p1 $0xFFFFD800  }
0x52: {  	p2 =	seq.s32 s21, $0x1;
	s21 =	simm.s32 $0xC800;
	_ =	swait.ge @!p1 [sflag:s20], $0x2800  }
0x53: {  	s21 =	simm.s32 @!p2 $0x0;
	[sflag:s20] =	ssyncset.done @!p1 $0x0  }
0x54: {  	s22 =	sor.u32 $0x400, s21;
	[sflag:s20] =	ssyncadd.s32 @!p1 $0xFFFFD800  }
0x55: {  	[tilespmem:s22], [sflag:$0x1] =	stream.indirect.gather [hbm4b:s3+s8], $0x80, s2, s8, $0xb8;
	[tilespmem:$0x19400] =	vst v63  }
0x56: {  	s23 =	sadd.s32 $0x2C00, s21  }
0x57: {  	[tilespmem:s23], [sflag:$0x1] =	stream.indirect.gather [hbm4b:s3+s8], $0x80, s9, s8, $0xb8;
	[tilespmem:$0x19400] =	vst v63  }
0x58: {  	s24 =	sadd.s32 $0x5400, s21  }
0x59: {  	[tilespmem:s24], [sflag:$0x1] =	stream.indirect.gather [hbm4b:s3+s8], $0x80, s10, s8, $0xb8;
	[tilespmem:$0x19400] =	vst v63  }
0x5a: {  	s25 =	sadd.s32 $0x7C00, s21  }
0x5b: {  	[tilespmem:s25], [sflag:$0x1] =	stream.indirect.gather [hbm4b:s3+s8], $0x80, s11, s8, $0xb8;
	[tilespmem:$0x19400] =	vst v63  }
0x5c: {  	s20 =	sadd.s32 $0xA400, s21  }
0x5d: {  	[tilespmem:s20], [sflag:$0x1] =	stream.indirect.gather [hbm4b:s3+s8], $0x80, s12, s8, $0xb8;
	[tilespmem:$0x19400] =	vst v63  }
0x5e: {  	_ =	swait.ge [sflag:s13], $0x2800  }
0x5f: {  	[sflag:s13] =	ssyncset.done $0x0  }
0x60: {  	[sflag:s13] =	ssyncadd.s32 $0xFFFFD800  }
0x61: {  	_ =	swait.ge [sflag:s13], $0x2800  }
0x62: {  	[sflag:s13] =	ssyncset.done $0x0  }
0x63: {  	[sflag:s13] =	ssyncadd.s32 $0xFFFFD800  }
0x64: {  	_ =	swait.ge [sflag:s13], $0x2800  }
0x65: {  	[sflag:s13] =	ssyncset.done $0x0  }
0x66: {  	[sflag:s13] =	ssyncadd.s32 $0xFFFFD800  }
0x67: {  	_ =	swait.ge [sflag:s13], $0x2800  }
0x68: {  	[sflag:s13] =	ssyncset.done $0x0  }
0x69: {  	[sflag:s13] =	ssyncadd.s32 $0xFFFFD800  }
0x6a: {  	_ =	swait.ge [sflag:s13], $0x2800  }
0x6b: {  	[sflag:s13] =	ssyncset.done $0x0  }
0x6c: {  	s19 =	sadd.s32 s19, s6;
	[sflag:s13] =	ssyncadd.s32 $0xFFFFD800  }
0x6d: {  	[hbm4b:s19+s2] =	stream.linear.scatter [tilespmem:s22], [sflag:$0x2], $0x2800, $0x38;
	[tilespmem:$0x19400] =	vst v63  }
0x6e: {  	s21 =	sadd.s32 $0x500, s19  }
0x6f: {  	[hbm4b:s21+s2] =	stream.linear.scatter [tilespmem:s23], [sflag:$0x2], $0x2800, $0x38;
	[tilespmem:$0x19400] =	vst v63  }
.Ltmp0:
0x70: {  	s21 =	sadd.s32 $0xA00, s19;
	(pc) =	sbr.rel @p0 .LBB2_2-.Ltmp0, $4  }
0x71: {  	[hbm4b:s21+s2] =	stream.linear.scatter [tilespmem:s24], [sflag:$0x2], $0x2800, $0x38;
	[tilespmem:$0x19400] =	vst v63  }
0x72: {  	s21 =	sadd.s32 $0xF00, s19  }
0x73: {  	[hbm4b:s21+s2] =	stream.linear.scatter [tilespmem:s25], [sflag:$0x2], $0x2800, $0x38;
	[tilespmem:$0x19400] =	vst v63  }
0x74: {  	s17 =	sadd.s32 $0x1, s17;
	s18 =	sadd.s32 $0x80, s18;
	s19 =	sadd.s32 $0x1400, s19  }
0x75: {  	[hbm4b:s19+s2] =	stream.linear.scatter [tilespmem:s20], [sflag:$0x2], $0x2800, $0x38;
	[tilespmem:$0x19400] =	vst v63  }
0x76: {  	_ =	swait.ge [sflag:s14], $0x2800  }
0x77: {  	[sflag:s14] =	ssyncset.done $0x0  }
0x78: {  	[sflag:s14] =	ssyncadd.s32 $0xFFFFD800  }
0x79: {  	_ =	swait.ge [sflag:s14], $0x2800  }
0x7a: {  	[sflag:s14] =	ssyncset.done $0x0  }
0x7b: {  	[sflag:s14] =	ssyncadd.s32 $0xFFFFD800  }
0x7c: {  	_ =	swait.ge [sflag:s14], $0x2800  }
0x7d: {  	[sflag:s14] =	ssyncset.done $0x0  }
0x7e: {  	[sflag:s14] =	ssyncadd.s32 $0xFFFFD800  }
0x7f: {  	_ =	swait.ge [sflag:s14], $0x2800  }
0x80: {  	[sflag:s14] =	ssyncset.done $0x0  }
0x81: {  	[sflag:s14] =	ssyncadd.s32 $0xFFFFD800  }
0x82: {  	_ =	swait.ge [sflag:s14], $0x2800  }
0x83: {  	[sflag:s14] =	ssyncset.done $0x0  }
0x84: {  	[sflag:s14] =	ssyncadd.s32 $0xFFFFD800  }
0x85: {  	_ =	swait.ge [sflag:s14], $0x2800  }
0x86: {  	[sflag:s14] =	ssyncset.done $0x0  }
0x87: {  	[sflag:s14] =	ssyncadd.s32 $0xFFFFD800  }
0x88: {  	_ =	swait.ge [sflag:s14], $0x2800  }
0x89: {  	[sflag:s14] =	ssyncset.done $0x0  }
0x8a: {  	[sflag:s14] =	ssyncadd.s32 $0xFFFFD800  }
0x8b: {  	_ =	swait.ge [sflag:s14], $0x2800  }
0x8c: {  	[sflag:s14] =	ssyncset.done $0x0  }
0x8d: {  	s15 =	sadd.s32 $0x1, s15;
	[sflag:s14] =	ssyncadd.s32 $0xFFFFD800  }
0x8e: {  	p0 =	sne.s32 s15, s4;
	_ =	swait.ge [sflag:s14], $0x2800  }
.Ltmp1:
0x8f: {  	[sflag:s14] =	ssyncset.done $0x0;
	(pc) =	sbr.rel @p0 .LBB2_1-.Ltmp1, $4  }
0x90: {  	[sflag:s14] =	ssyncadd.s32 $0xFFFFD800  }
0x91: {  	_ =	swait.ge [sflag:s14], $0x2800  }
0x92: {  	[sflag:s14] =	ssyncset.done $0x0  }
0x93: {  	[sflag:s14] =	ssyncadd.s32 $0xFFFFD800  }
0x94: {  	_ =	sfence.sel $0x180000  }
0x95: {  	[bflag:$0x0] =	sbarrier.arrive $0xFFFF  }
0x96: {  	p0 =	sne.s32 s1, $0x0;
	_ =	strace $0x9000004A  }
0x97: {  	s0 =	sadd.s32 @!p0 $0x100000, s0;
	[bflag:$0x2] =	sbarrier.arrive $0xFFFF  }
0x98: {  	[sflag:s0] =	ssyncadd.tile.s32 @!p0 $0x1;
	_ =	shalt  }
.Lfunc_end2:
_tile_overlayer_lowered:
.L_overlay_start_2:
0x99: {  	(tag) =	ssettag $0x2  }
0x9a: {  	s0 =	rddreg [dreg:$0x0];
	s2 =	stileid.u32  }
0x9b: {  	s1 =	rddreg [dreg:$0x1];
	p0 =	sne.s32 s2, $0x0  }
0x9c: {  	s3 =	rddreg [dreg:$0x2];
	[bflag:$0x3] =	sbarrier.arrive $0xFFFF;
	s2 =	simm.s32 @!p0 $0x1C03  }
0x9d: {  	[timem:s3], [sflag:s2] =	dma.local @!p0 [hbm:s0], s1  }
0x9e: {  	s0 =	simm.s32 @!p0 $0x3  }
0x9f: {  	_ =	swait.ge @!p0 [sflag:s0], s1  }
0xa0: {  	s1 =	ssub.s32 @!p0 $0x0, s1;
	[sflag:s0] =	ssyncset.done @!p0 $0x0  }
0xa1: {  	[sflag:s0] =	ssyncadd.s32 @!p0 s1  }
0xa2: {  	[bflag:$0x3] =	sbarrier.arrive $0xFFFF  }
0xa3: {  	_ =	shalt  }

</sc_bundles>
